<compile_context>
chip_gen: v7x
topology: tpu7x:2x2x1
jax: 0.10.2.dev20260603
libtpu: 0.0.44.dev20260713+nightly
codegen_flags: <defaults>
</compile_context>

<pallas_src>
import jax
import jax.numpy as jnp
from jax import lax
from jax.experimental import pallas as pl
from jax.experimental.pallas import tpu as pltpu
from jax.experimental.pallas import tpu_sc as plsc

_NW = 32
_K = 16

_DNUMS = lax.GatherDimensionNumbers(
    offset_dims=(), collapsed_slice_dims=(0,), start_index_map=(0,))


def _g16(v, idx):
    return lax.gather(v, idx[:, None], dimension_numbers=_DNUMS,
                      slice_sizes=(1,),
                      mode=lax.GatherScatterMode.PROMISE_IN_BOUNDS)


def _prefix16(x, iota):
    for sh in (1, 2, 4, 8):
        g = _g16(x, jnp.maximum(iota - sh, 0))
        x = x + jnp.where(iota >= sh, g, 0)
    return x


def _rank_select(cs, tgt):
    src = jnp.zeros((16,), jnp.int32)
    for step in (8, 4, 2, 1):
        c = _g16(cs, src + (step - 1))
        src = src + jnp.where(c <= tgt, step, 0)
    return src


def _sc_body(mask_hbm, t_hbm, out_hbm, mask_v, kept_v, miss_v,
             buf_a, buf_b, buf_c, sem_g, sem_s, sem_z):
    rows, d = t_hbm.shape
    rpw = rows // _NW
    wid = lax.axis_index("s") * 2 + lax.axis_index("c")
    base = wid * rpw

    pltpu.sync_copy(mask_hbm.at[pl.ds(base, rpw)], mask_v)

    iota = lax.iota(jnp.int32, 16)

    def _kidx(c):
        return kept_v[pl.ds(c * _K, _K)]

    def _gather_to(c, buf):
        pltpu.async_copy(t_hbm.at[_kidx(c)], buf, sem_g)

    def _scatter_from(c, buf):
        pltpu.async_copy(buf, out_hbm.at[_kidx(c)], sem_s)

    def compact(g, carry):
        nk, nm, primed = carry
        m16 = mask_v[pl.ds(g * 16, 16)]
        idxv = base + g * 16 + iota
        mi = jnp.where(m16 != 0, 1, 0)
        csk = _prefix16(mi, iota)
        ck = csk[15]
        csm = iota + 1 - csk
        kept_v[pl.ds(nk, 16)] = _g16(idxv, _rank_select(csk, iota))
        miss_v[pl.ds(nm, 16)] = _g16(idxv, _rank_select(csm, iota))
        nk = nk + ck
        do_prime = (primed == 0) & (nk >= 48)

        @pl.when(do_prime)
        def _p():
            _gather_to(0, buf_a)
            _gather_to(1, buf_b)

        return (nk, nm + (16 - ck), jnp.where(do_prime, 1, primed))

    nk, nm, primed = lax.fori_loop(0, rpw // 16, compact,
                                   (jnp.int32(0), jnp.int32(0),
                                    jnp.int32(0)))

    k0 = jnp.where(nk > 0, kept_v[pl.ds(0, 16)][0], base)
    m0 = jnp.where(nm > 0, miss_v[pl.ds(0, 16)][0], base)
    kept_v[pl.ds(nk, 16)] = jnp.zeros((16,), jnp.int32) + k0
    miss_v[pl.ds(nm, 16)] = jnp.zeros((16,), jnp.int32) + m0

    nck = (nk + _K - 1) // _K
    ncz = (nm + _K - 1) // _K

    def _ring(c, fn):
        r = c % 3

        @pl.when(r == 0)
        def _r0():
            fn(buf_a)

        @pl.when(r == 1)
        def _r1():
            fn(buf_b)

        @pl.when(r == 2)
        def _r2():
            fn(buf_c)

    @pl.when((primed == 0) & (nck > 0))
    def _p0():
        _gather_to(0, buf_a)

    @pl.when((primed == 0) & (nck > 1))
    def _p1():
        _gather_to(1, buf_b)

    def body(c, carry):
        pltpu.make_async_copy(t_hbm.at[pl.ds(0, _K)], buf_a, sem_g).wait()
        _ring(c, lambda buf: _scatter_from(c, buf))

        @pl.when(c + 2 < nck)
        def _issue():
            @pl.when(c >= 1)
            def _w():
                pltpu.make_async_copy(
                    buf_a, out_hbm.at[pl.ds(0, _K)], sem_s).wait()
            _ring(c + 2, lambda buf: _gather_to(c + 2, buf))

        return carry

    lax.fori_loop(0, nck, body, 0)

    def sdrain(c, carry):
        pltpu.make_async_copy(buf_a, out_hbm.at[pl.ds(0, _K)], sem_s).wait()
        return carry

    lax.fori_loop(0, jnp.minimum(nck, 3), sdrain, 0)

    zv = jnp.zeros((16,), jnp.float32)

    def zinit_row(i, carry):
        def zinit_col(j, carry2):
            buf_c[i, pl.ds(j * 16, 16)] = zv
            return carry2
        return lax.fori_loop(0, d // 16, zinit_col, carry)

    lax.fori_loop(0, _K, zinit_row, 0)

    def zbody(c, carry):
        pltpu.async_copy(
            buf_c, out_hbm.at[miss_v[pl.ds(c * _K, _K)]], sem_z)
        return carry

    lax.fori_loop(0, ncz, zbody, 0)

    def zdrain(c, carry):
        pltpu.make_async_copy(buf_c, out_hbm.at[pl.ds(0, _K)], sem_z).wait()
        return carry

    lax.fori_loop(0, ncz, zdrain, 0)


def kernel(tensor, mask):
    B, S, D = tensor.shape
    rows = B * S
    t2d = tensor.reshape(rows, D)
    m1d = mask.astype(jnp.int32).reshape(rows)
    rpw = rows // _NW

    kfn = pl.kernel(
        _sc_body,
        out_type=jax.ShapeDtypeStruct((rows, D), jnp.float32),
        mesh=plsc.VectorSubcoreMesh(core_axis_name="c", subcore_axis_name="s"),
        scratch_types=[
            pltpu.VMEM((rpw,), jnp.int32),
            pltpu.VMEM((rpw + 16,), jnp.int32),
            pltpu.VMEM((rpw + 16,), jnp.int32),
            pltpu.VMEM((_K, D), jnp.float32),
            pltpu.VMEM((_K, D), jnp.float32),
            pltpu.VMEM((_K, D), jnp.float32),
            pltpu.SemaphoreType.DMA,
            pltpu.SemaphoreType.DMA,
            pltpu.SemaphoreType.DMA,
        ],
    )
    return kfn(m1d, t2d).reshape(B, S, D)

# --- scband reference (transcript-rebuilt; emitter-appended) ---
"""Pipeline reference for scband-mask-52561809768981 (READ-ONLY COPY).

The authoritative reference and input builder live on the scoring server;
editing this copy changes nothing except your own understanding.
"""

import jax, jax.numpy as jnp
import numpy as np

VALUE = 0.0
INVERSE = True


def setup_inputs(seed: int = 0) -> dict:
    key = jax.random.key(seed)
    k1, k2 = jax.random.split(key)
    tensor = jax.random.normal(k1, (4, 8192, 2048), dtype=jnp.float32)
    mask = jax.random.randint(k2, (4, 8192), 0, 2).astype(jnp.bool_)
    return {"tensor": tensor, "mask": mask}


def reference(tensor, mask):
    # mask.shape[1] == tensor.shape[1] -> else branch of the torch module:
    #   m = ~mask (inverse=True); tensor[m] = value
    # Boolean indexing with a [B, S] mask on a [B, S, D] tensor fills whole
    # feature rows, i.e. broadcast over trailing dims.
    m = ~mask if INVERSE else mask
    m_b = m.reshape(m.shape + (1,) * (tensor.ndim - m.ndim))
    return jnp.where(m_b, jnp.float32(VALUE), tensor)

if __name__ == "__main__":
    import jax
    _d = setup_inputs()
    print(jax.jit(kernel)(*tuple(_d.values())))

</pallas_src>

<mosaic_0001>
#map = affine_map<(d0, d1) -> (0)>
#map1 = affine_map<(d0, d1) -> (0, 0)>
module attributes {stable_mosaic.version = 14 : i64} {
  func.func @_sc_body(%arg0: i32, %arg1: i32, %arg2: memref<32768xi32, #tpu.memory_space<hbm>>, %arg3: memref<32768x2048xf32, #tpu.memory_space<hbm>>, %arg4: memref<32768x2048xf32, #tpu.memory_space<hbm>>, %arg5: memref<1024xi32, #tpu.memory_space<vmem>>, %arg6: memref<1040xi32, #tpu.memory_space<vmem>>, %arg7: memref<1040xi32, #tpu.memory_space<vmem>>, %arg8: memref<16x2048xf32, #tpu.memory_space<vmem>>, %arg9: memref<16x2048xf32, #tpu.memory_space<vmem>>, %arg10: memref<16x2048xf32, #tpu.memory_space<vmem>>, %arg11: memref<!tpu.dma_semaphore, #tpu.memory_space<semaphore_mem>>, %arg12: memref<!tpu.dma_semaphore, #tpu.memory_space<semaphore_mem>>, %arg13: memref<!tpu.dma_semaphore, #tpu.memory_space<semaphore_mem>>) attributes {dimension_semantics = [#tpu.dimension_semantics<core_parallel>, #tpu.dimension_semantics<subcore_parallel>], iteration_bounds = array<i64: 2, 16>, scalar_prefetch = 0 : i64, scratch_operands = 9 : i64, tpu.core_type = #tpu.core_type<sc_vector_subcore>, window_params = [{transform_indices = #map}, {transform_indices = #map1}, {transform_indices = #map1}]} {
    %mul3A = arith.constant 2 : i32
    %mul3A_0 = arith.muli %arg1, %mul3A : i32
    %add3A = arith.addi %mul3A_0, %arg0 : i32
    %mul3A_1 = arith.constant 1024 : i32
    %mul3A_2 = arith.muli %add3A, %mul3A_1 : i32
    "tpu.region"() ({
      %run_scoped3A = tpu.sem_alloc : memref<!tpu.dma_semaphore, #tpu.memory_space<semaphore_mem>>
      %dma_start3A = tpu.memref_slice %arg2[%mul3A_2] : memref<32768xi32, #tpu.memory_space<hbm>> -> memref<1024xi32, #tpu.memory_space<hbm>>
      %dma_start3A_146 = tpu.memref_slice %arg2[%mul3A_2] : memref<32768xi32, #tpu.memory_space<hbm>> -> memref<1024xi32, #tpu.memory_space<hbm>>
      tpu.enqueue_dma source(%dma_start3A_146 : memref<1024xi32, #tpu.memory_space<hbm>>) target(%arg5 : memref<1024xi32, #tpu.memory_space<vmem>>) target_semaphore(%run_scoped3A : memref<!tpu.dma_semaphore, #tpu.memory_space<semaphore_mem>>)
      %dma_wait3A = tpu.memref_slice %arg2[%mul3A_2] : memref<32768xi32, #tpu.memory_space<hbm>> -> memref<1024xi32, #tpu.memory_space<hbm>>
      %dma_wait3A_147 = tpu.memref_slice %arg2[%mul3A_2] : memref<32768xi32, #tpu.memory_space<hbm>> -> memref<1024xi32, #tpu.memory_space<hbm>>
      tpu.wait_dma2 semaphore(%run_scoped3A : memref<!tpu.dma_semaphore, #tpu.memory_space<semaphore_mem>>) src(%dma_wait3A_147 : memref<1024xi32, #tpu.memory_space<hbm>>) dst(%arg5 : memref<1024xi32, #tpu.memory_space<vmem>>)
      tpu.yield
    }) : () -> ()
    %iota3A = tpu.iota {dimensions = array<i32: 0>} : vector<16xi32>
    %scan3A = arith.constant 0 : i32
    %scan3A_3 = arith.constant 0 : i32
    %scan3A_4 = arith.constant 0 : i32
    %scan3A_5 = arith.constant 0 : i32
    %scan3A_6 = arith.constant 64 : i32
    %scan3A_7 = arith.addi %scan3A_5, %scan3A_6 : i32
    %scan3A_8 = arith.constant 1 : i32
    %scan3A_9:3 = scf.for %scan3A_146 = %scan3A_5 to %scan3A_7 step %scan3A_8 iter_args(%scan3A_147 = %scan3A, %scan3A_148 = %scan3A_3, %scan3A_149 = %scan3A_4) -> (i32, i32, i32)  : i32 {
      %mul3A_150 = arith.constant 16 : i32
      %mul3A_151 = arith.muli %scan3A_146, %mul3A_150 : i32
      %get3A_152 = arith.index_cast %mul3A_151 : i32 to index
      %get3A_153 = tpu.vector_load %arg5[%get3A_152] {strides = array<i32>} : memref<1024xi32, #tpu.memory_space<vmem>>, vector<16xi32>,
      %get3A_154 = vector.shape_cast %get3A_153 : vector<16xi32> to vector<16xi32>
      %mul3A_155 = arith.constant 16 : i32
      %mul3A_156 = arith.muli %scan3A_146, %mul3A_155 : i32
      %add3A_157 = arith.addi %mul3A_2, %mul3A_156 : i32
      %add3A_158 = vector.broadcast %add3A_157 : i32 to vector<16xi32>
      %add3A_159 = arith.addi %add3A_158, %iota3A : vector<16xi32>
      %ne3A_160 = arith.constant 0 : i32
      %ne3A_161 = vector.broadcast %ne3A_160 : i32 to vector<16xi32>
      %ne3A_162 = arith.cmpi ne, %get3A_154, %ne3A_161 : vector<16xi32>
      %jit3A_163 = arith.constant 1 : i32
      %jit3A_164 = arith.constant 0 : i32
      %broadcast_in_dim3A_165 = vector.broadcast %jit3A_163 : i32 to vector<16xi32>
      %broadcast_in_dim3A_166 = vector.broadcast %jit3A_164 : i32 to vector<16xi32>
      %select_n3A_167 = arith.select %ne3A_162, %broadcast_in_dim3A_165, %broadcast_in_dim3A_166 : vector<16xi1>, vector<16xi32>
      %sub3A_168 = arith.constant 1 : i32
      %sub3A_169 = vector.broadcast %sub3A_168 : i32 to vector<16xi32>
      %sub3A_170 = arith.subi %iota3A, %sub3A_169 : vector<16xi32>
      %max3A = arith.constant 0 : i32
      %max3A_171 = vector.broadcast %max3A : i32 to vector<16xi32>
      %max3A_172 = arith.maxsi %sub3A_170, %max3A_171 : vector<16xi32>
      %broadcast_in_dim3A_173 = vector.shape_cast %max3A_172 : vector<16xi32> to vector<16x1xi32>
      %gather3A = vector.shape_cast %broadcast_in_dim3A_173 : vector<16x1xi32> to vector<16xi32>
      %gather3A_174 = tpu.dynamic_gather %select_n3A_167[%gather3A] in [0] : vector<16xi32>, vector<16xi32> -> vector<16xi32>
      %ge3A = arith.constant 1 : i32
      %ge3A_175 = vector.broadcast %ge3A : i32 to vector<16xi32>
      %ge3A_176 = arith.cmpi sge, %iota3A, %ge3A_175 : vector<16xi32>
      %jit3A_177 = arith.constant 0 : i32
      %broadcast_in_dim3A_178 = vector.broadcast %jit3A_177 : i32 to vector<16xi32>
      %select_n3A_179 = arith.select %ge3A_176, %gather3A_174, %broadcast_in_dim3A_178 : vector<16xi1>, vector<16xi32>
      %add3A_180 = arith.addi %select_n3A_167, %select_n3A_179 : vector<16xi32>
      %sub3A_181 = arith.constant 2 : i32
      %sub3A_182 = vector.broadcast %sub3A_181 : i32 to vector<16xi32>
      %sub3A_183 = arith.subi %iota3A, %sub3A_182 : vector<16xi32>
      %max3A_184 = arith.constant 0 : i32
      %max3A_185 = vector.broadcast %max3A_184 : i32 to vector<16xi32>
      %max3A_186 = arith.maxsi %sub3A_183, %max3A_185 : vector<16xi32>
      %broadcast_in_dim3A_187 = vector.shape_cast %max3A_186 : vector<16xi32> to vector<16x1xi32>
      %gather3A_188 = vector.shape_cast %broadcast_in_dim3A_187 : vector<16x1xi32> to vector<16xi32>
      %gather3A_189 = tpu.dynamic_gather %add3A_180[%gather3A_188] in [0] : vector<16xi32>, vector<16xi32> -> vector<16xi32>
      %ge3A_190 = arith.constant 2 : i32
      %ge3A_191 = vector.broadcast %ge3A_190 : i32 to vector<16xi32>
      %ge3A_192 = arith.cmpi sge, %iota3A, %ge3A_191 : vector<16xi32>
      %jit3A_193 = arith.constant 0 : i32
      %broadcast_in_dim3A_194 = vector.broadcast %jit3A_193 : i32 to vector<16xi32>
      %select_n3A_195 = arith.select %ge3A_192, %gather3A_189, %broadcast_in_dim3A_194 : vector<16xi1>, vector<16xi32>
      %add3A_196 = arith.addi %add3A_180, %select_n3A_195 : vector<16xi32>
      %sub3A_197 = arith.constant 4 : i32
      %sub3A_198 = vector.broadcast %sub3A_197 : i32 to vector<16xi32>
      %sub3A_199 = arith.subi %iota3A, %sub3A_198 : vector<16xi32>
      %max3A_200 = arith.constant 0 : i32
      %max3A_201 = vector.broadcast %max3A_200 : i32 to vector<16xi32>
      %max3A_202 = arith.maxsi %sub3A_199, %max3A_201 : vector<16xi32>
      %broadcast_in_dim3A_203 = vector.shape_cast %max3A_202 : vector<16xi32> to vector<16x1xi32>
      %gather3A_204 = vector.shape_cast %broadcast_in_dim3A_203 : vector<16x1xi32> to vector<16xi32>
      %gather3A_205 = tpu.dynamic_gather %add3A_196[%gather3A_204] in [0] : vector<16xi32>, vector<16xi32> -> vector<16xi32>
      %ge3A_206 = arith.constant 4 : i32
      %ge3A_207 = vector.broadcast %ge3A_206 : i32 to vector<16xi32>
      %ge3A_208 = arith.cmpi sge, %iota3A, %ge3A_207 : vector<16xi32>
      %jit3A_209 = arith.constant 0 : i32
      %broadcast_in_dim3A_210 = vector.broadcast %jit3A_209 : i32 to vector<16xi32>
      %select_n3A_211 = arith.select %ge3A_208, %gather3A_205, %broadcast_in_dim3A_210 : vector<16xi1>, vector<16xi32>
      %add3A_212 = arith.addi %add3A_196, %select_n3A_211 : vector<16xi32>
      %sub3A_213 = arith.constant 8 : i32
      %sub3A_214 = vector.broadcast %sub3A_213 : i32 to vector<16xi32>
      %sub3A_215 = arith.subi %iota3A, %sub3A_214 : vector<16xi32>
      %max3A_216 = arith.constant 0 : i32
      %max3A_217 = vector.broadcast %max3A_216 : i32 to vector<16xi32>
      %max3A_218 = arith.maxsi %sub3A_215, %max3A_217 : vector<16xi32>
      %broadcast_in_dim3A_219 = vector.shape_cast %max3A_218 : vector<16xi32> to vector<16x1xi32>
      %gather3A_220 = vector.shape_cast %broadcast_in_dim3A_219 : vector<16x1xi32> to vector<16xi32>
      %gather3A_221 = tpu.dynamic_gather %add3A_212[%gather3A_220] in [0] : vector<16xi32>, vector<16xi32> -> vector<16xi32>
      %ge3A_222 = arith.constant 8 : i32
      %ge3A_223 = vector.broadcast %ge3A_222 : i32 to vector<16xi32>
      %ge3A_224 = arith.cmpi sge, %iota3A, %ge3A_223 : vector<16xi32>
      %jit3A_225 = arith.constant 0 : i32
      %broadcast_in_dim3A_226 = vector.broadcast %jit3A_225 : i32 to vector<16xi32>
      %select_n3A_227 = arith.select %ge3A_224, %gather3A_221, %broadcast_in_dim3A_226 : vector<16xi1>, vector<16xi32>
      %add3A_228 = arith.addi %add3A_212, %select_n3A_227 : vector<16xi32>
      %slice3A_229 = vector.extract_strided_slice %add3A_228 {offsets = [15], sizes = [1], strides = [1]} : vector<16xi32> to vector<1xi32>
      %squeeze3A_230 = vector.extract %slice3A_229[0] : i32 from vector<1xi32>
      %add3A_231 = arith.constant 1 : i32
      %add3A_232 = vector.broadcast %add3A_231 : i32 to vector<16xi32>
      %add3A_233 = arith.addi %iota3A, %add3A_232 : vector<16xi32>
      %sub3A_234 = arith.subi %add3A_233, %add3A_228 : vector<16xi32>
      %broadcast_in_dim3A_235 = arith.constant 0 : i32
      %broadcast_in_dim3A_236 = vector.broadcast %broadcast_in_dim3A_235 : i32 to vector<16xi32>
      %add3A_237 = arith.constant 7 : i32
      %add3A_238 = vector.broadcast %add3A_237 : i32 to vector<16xi32>
      %add3A_239 = arith.addi %broadcast_in_dim3A_236, %add3A_238 : vector<16xi32>
      %broadcast_in_dim3A_240 = vector.shape_cast %add3A_239 : vector<16xi32> to vector<16x1xi32>
      %gather3A_241 = vector.shape_cast %broadcast_in_dim3A_240 : vector<16x1xi32> to vector<16xi32>
      %gather3A_242 = tpu.dynamic_gather %add3A_228[%gather3A_241] in [0] : vector<16xi32>, vector<16xi32> -> vector<16xi32>
      %le3A = arith.cmpi sle, %gather3A_242, %iota3A : vector<16xi32>
      %jit3A_243 = arith.constant 8 : i32
      %jit3A_244 = arith.constant 0 : i32
      %broadcast_in_dim3A_245 = vector.broadcast %jit3A_243 : i32 to vector<16xi32>
      %broadcast_in_dim3A_246 = vector.broadcast %jit3A_244 : i32 to vector<16xi32>
      %select_n3A_247 = arith.select %le3A, %broadcast_in_dim3A_245, %broadcast_in_dim3A_246 : vector<16xi1>, vector<16xi32>
      %add3A_248 = arith.addi %broadcast_in_dim3A_236, %select_n3A_247 : vector<16xi32>
      %add3A_249 = arith.constant 3 : i32
      %add3A_250 = vector.broadcast %add3A_249 : i32 to vector<16xi32>
      %add3A_251 = arith.addi %add3A_248, %add3A_250 : vector<16xi32>
      %broadcast_in_dim3A_252 = vector.shape_cast %add3A_251 : vector<16xi32> to vector<16x1xi32>
      %gather3A_253 = vector.shape_cast %broadcast_in_dim3A_252 : vector<16x1xi32> to vector<16xi32>
      %gather3A_254 = tpu.dynamic_gather %add3A_228[%gather3A_253] in [0] : vector<16xi32>, vector<16xi32> -> vector<16xi32>
      %le3A_255 = arith.cmpi sle, %gather3A_254, %iota3A : vector<16xi32>
      %jit3A_256 = arith.constant 4 : i32
      %jit3A_257 = arith.constant 0 : i32
      %broadcast_in_dim3A_258 = vector.broadcast %jit3A_256 : i32 to vector<16xi32>
      %broadcast_in_dim3A_259 = vector.broadcast %jit3A_257 : i32 to vector<16xi32>
      %select_n3A_260 = arith.select %le3A_255, %broadcast_in_dim3A_258, %broadcast_in_dim3A_259 : vector<16xi1>, vector<16xi32>
      %add3A_261 = arith.addi %add3A_248, %select_n3A_260 : vector<16xi32>
      %add3A_262 = arith.constant 1 : i32
      %add3A_263 = vector.broadcast %add3A_262 : i32 to vector<16xi32>
      %add3A_264 = arith.addi %add3A_261, %add3A_263 : vector<16xi32>
      %broadcast_in_dim3A_265 = vector.shape_cast %add3A_264 : vector<16xi32> to vector<16x1xi32>
      %gather3A_266 = vector.shape_cast %broadcast_in_dim3A_265 : vector<16x1xi32> to vector<16xi32>
      %gather3A_267 = tpu.dynamic_gather %add3A_228[%gather3A_266] in [0] : vector<16xi32>, vector<16xi32> -> vector<16xi32>
      %le3A_268 = arith.cmpi sle, %gather3A_267, %iota3A : vector<16xi32>
      %jit3A_269 = arith.constant 2 : i32
      %jit3A_270 = arith.constant 0 : i32
      %broadcast_in_dim3A_271 = vector.broadcast %jit3A_269 : i32 to vector<16xi32>
      %broadcast_in_dim3A_272 = vector.broadcast %jit3A_270 : i32 to vector<16xi32>
      %select_n3A_273 = arith.select %le3A_268, %broadcast_in_dim3A_271, %broadcast_in_dim3A_272 : vector<16xi1>, vector<16xi32>
      %add3A_274 = arith.addi %add3A_261, %select_n3A_273 : vector<16xi32>
      %add3A_275 = arith.constant 0 : i32
      %add3A_276 = vector.broadcast %add3A_275 : i32 to vector<16xi32>
      %add3A_277 = arith.addi %add3A_274, %add3A_276 : vector<16xi32>
      %broadcast_in_dim3A_278 = vector.shape_cast %add3A_277 : vector<16xi32> to vector<16x1xi32>
      %gather3A_279 = vector.shape_cast %broadcast_in_dim3A_278 : vector<16x1xi32> to vector<16xi32>
      %gather3A_280 = tpu.dynamic_gather %add3A_228[%gather3A_279] in [0] : vector<16xi32>, vector<16xi32> -> vector<16xi32>
      %le3A_281 = arith.cmpi sle, %gather3A_280, %iota3A : vector<16xi32>
      %jit3A_282 = arith.constant 1 : i32
      %jit3A_283 = arith.constant 0 : i32
      %broadcast_in_dim3A_284 = vector.broadcast %jit3A_282 : i32 to vector<16xi32>
      %broadcast_in_dim3A_285 = vector.broadcast %jit3A_283 : i32 to vector<16xi32>
      %select_n3A_286 = arith.select %le3A_281, %broadcast_in_dim3A_284, %broadcast_in_dim3A_285 : vector<16xi1>, vector<16xi32>
      %add3A_287 = arith.addi %add3A_274, %select_n3A_286 : vector<16xi32>
      %broadcast_in_dim3A_288 = vector.shape_cast %add3A_287 : vector<16xi32> to vector<16x1xi32>
      %gather3A_289 = vector.shape_cast %broadcast_in_dim3A_288 : vector<16x1xi32> to vector<16xi32>
      %gather3A_290 = tpu.dynamic_gather %add3A_159[%gather3A_289] in [0] : vector<16xi32>, vector<16xi32> -> vector<16xi32>
      %swap3A_291 = arith.index_cast %scan3A_147 : i32 to index
      %swap3A_292 = tpu.vector_load %arg6[%swap3A_291] {strides = array<i32>} : memref<1040xi32, #tpu.memory_space<vmem>>, vector<16xi32>,
      %swap3A_293 = vector.shape_cast %swap3A_292 : vector<16xi32> to vector<16xi32>
      %swap3A_294 = vector.shape_cast %gather3A_290 : vector<16xi32> to vector<16xi32>
      tpu.vector_store %arg6[%swap3A_291], %swap3A_294 {strides = array<i32>} : memref<1040xi32, #tpu.memory_space<vmem>>, vector<16xi32>,
      %broadcast_in_dim3A_295 = arith.constant 0 : i32
      %broadcast_in_dim3A_296 = vector.broadcast %broadcast_in_dim3A_295 : i32 to vector<16xi32>
      %add3A_297 = arith.constant 7 : i32
      %add3A_298 = vector.broadcast %add3A_297 : i32 to vector<16xi32>
      %add3A_299 = arith.addi %broadcast_in_dim3A_296, %add3A_298 : vector<16xi32>
      %broadcast_in_dim3A_300 = vector.shape_cast %add3A_299 : vector<16xi32> to vector<16x1xi32>
      %gather3A_301 = vector.shape_cast %broadcast_in_dim3A_300 : vector<16x1xi32> to vector<16xi32>
      %gather3A_302 = tpu.dynamic_gather %sub3A_234[%gather3A_301] in [0] : vector<16xi32>, vector<16xi32> -> vector<16xi32>
      %le3A_303 = arith.cmpi sle, %gather3A_302, %iota3A : vector<16xi32>
      %jit3A_304 = arith.constant 8 : i32
      %jit3A_305 = arith.constant 0 : i32
      %broadcast_in_dim3A_306 = vector.broadcast %jit3A_304 : i32 to vector<16xi32>
      %broadcast_in_dim3A_307 = vector.broadcast %jit3A_305 : i32 to vector<16xi32>
      %select_n3A_308 = arith.select %le3A_303, %broadcast_in_dim3A_306, %broadcast_in_dim3A_307 : vector<16xi1>, vector<16xi32>
      %add3A_309 = arith.addi %broadcast_in_dim3A_296, %select_n3A_308 : vector<16xi32>
      %add3A_310 = arith.constant 3 : i32
      %add3A_311 = vector.broadcast %add3A_310 : i32 to vector<16xi32>
      %add3A_312 = arith.addi %add3A_309, %add3A_311 : vector<16xi32>
      %broadcast_in_dim3A_313 = vector.shape_cast %add3A_312 : vector<16xi32> to vector<16x1xi32>
      %gather3A_314 = vector.shape_cast %broadcast_in_dim3A_313 : vector<16x1xi32> to vector<16xi32>
      %gather3A_315 = tpu.dynamic_gather %sub3A_234[%gather3A_314] in [0] : vector<16xi32>, vector<16xi32> -> vector<16xi32>
      %le3A_316 = arith.cmpi sle, %gather3A_315, %iota3A : vector<16xi32>
      %jit3A_317 = arith.constant 4 : i32
      %jit3A_318 = arith.constant 0 : i32
      %broadcast_in_dim3A_319 = vector.broadcast %jit3A_317 : i32 to vector<16xi32>
      %broadcast_in_dim3A_320 = vector.broadcast %jit3A_318 : i32 to vector<16xi32>
      %select_n3A_321 = arith.select %le3A_316, %broadcast_in_dim3A_319, %broadcast_in_dim3A_320 : vector<16xi1>, vector<16xi32>
      %add3A_322 = arith.addi %add3A_309, %select_n3A_321 : vector<16xi32>
      %add3A_323 = arith.constant 1 : i32
      %add3A_324 = vector.broadcast %add3A_323 : i32 to vector<16xi32>
      %add3A_325 = arith.addi %add3A_322, %add3A_324 : vector<16xi32>
      %broadcast_in_dim3A_326 = vector.shape_cast %add3A_325 : vector<16xi32> to vector<16x1xi32>
      %gather3A_327 = vector.shape_cast %broadcast_in_dim3A_326 : vector<16x1xi32> to vector<16xi32>
      %gather3A_328 = tpu.dynamic_gather %sub3A_234[%gather3A_327] in [0] : vector<16xi32>, vector<16xi32> -> vector<16xi32>
      %le3A_329 = arith.cmpi sle, %gather3A_328, %iota3A : vector<16xi32>
      %jit3A_330 = arith.constant 2 : i32
      %jit3A_331 = arith.constant 0 : i32
      %broadcast_in_dim3A_332 = vector.broadcast %jit3A_330 : i32 to vector<16xi32>
      %broadcast_in_dim3A_333 = vector.broadcast %jit3A_331 : i32 to vector<16xi32>
      %select_n3A_334 = arith.select %le3A_329, %broadcast_in_dim3A_332, %broadcast_in_dim3A_333 : vector<16xi1>, vector<16xi32>
      %add3A_335 = arith.addi %add3A_322, %select_n3A_334 : vector<16xi32>
      %add3A_336 = arith.constant 0 : i32
      %add3A_337 = vector.broadcast %add3A_336 : i32 to vector<16xi32>
      %add3A_338 = arith.addi %add3A_335, %add3A_337 : vector<16xi32>
      %broadcast_in_dim3A_339 = vector.shape_cast %add3A_338 : vector<16xi32> to vector<16x1xi32>
      %gather3A_340 = vector.shape_cast %broadcast_in_dim3A_339 : vector<16x1xi32> to vector<16xi32>
      %gather3A_341 = tpu.dynamic_gather %sub3A_234[%gather3A_340] in [0] : vector<16xi32>, vector<16xi32> -> vector<16xi32>
      %le3A_342 = arith.cmpi sle, %gather3A_341, %iota3A : vector<16xi32>
      %jit3A_343 = arith.constant 1 : i32
      %jit3A_344 = arith.constant 0 : i32
      %broadcast_in_dim3A_345 = vector.broadcast %jit3A_343 : i32 to vector<16xi32>
      %broadcast_in_dim3A_346 = vector.broadcast %jit3A_344 : i32 to vector<16xi32>
      %select_n3A_347 = arith.select %le3A_342, %broadcast_in_dim3A_345, %broadcast_in_dim3A_346 : vector<16xi1>, vector<16xi32>
      %add3A_348 = arith.addi %add3A_335, %select_n3A_347 : vector<16xi32>
      %broadcast_in_dim3A_349 = vector.shape_cast %add3A_348 : vector<16xi32> to vector<16x1xi32>
      %gather3A_350 = vector.shape_cast %broadcast_in_dim3A_349 : vector<16x1xi32> to vector<16xi32>
      %gather3A_351 = tpu.dynamic_gather %add3A_159[%gather3A_350] in [0] : vector<16xi32>, vector<16xi32> -> vector<16xi32>
      %swap3A_352 = arith.index_cast %scan3A_148 : i32 to index
      %swap3A_353 = tpu.vector_load %arg7[%swap3A_352] {strides = array<i32>} : memref<1040xi32, #tpu.memory_space<vmem>>, vector<16xi32>,
      %swap3A_354 = vector.shape_cast %swap3A_353 : vector<16xi32> to vector<16xi32>
      %swap3A_355 = vector.shape_cast %gather3A_351 : vector<16xi32> to vector<16xi32>
      tpu.vector_store %arg7[%swap3A_352], %swap3A_355 {strides = array<i32>} : memref<1040xi32, #tpu.memory_space<vmem>>, vector<16xi32>,
      %add3A_356 = arith.addi %scan3A_147, %squeeze3A_230 : i32
      %eq3A_357 = arith.constant 0 : i32
      %eq3A_358 = arith.cmpi eq, %scan3A_149, %eq3A_357 : i32
      %ge3A_359 = arith.constant 48 : i32
      %ge3A_360 = arith.cmpi sge, %add3A_356, %ge3A_359 : i32
      %and3A_361 = arith.andi %eq3A_358, %ge3A_360 : i1
      %convert_element_type3A_362 = arith.extui %and3A_361 : i1 to i32
      %cond3A_363 = arith.constant 0 : i32
      %cond3A_364 = arith.cmpi ne, %convert_element_type3A_362, %cond3A_363 : i32
      scf.if %cond3A_364 {
        %get3A_370 = arith.constant 0 : index
        %get3A_371 = tpu.vector_load %arg6[%get3A_370] {strides = array<i32>} : memref<1040xi32, #tpu.memory_space<vmem>>, vector<16xi32>,
        %get3A_372 = vector.shape_cast %get3A_371 : vector<16xi32> to vector<16xi32>
        %dma_start3A = arith.constant 0 : i32
        %dma_start3A_373 = arith.constant 0 : i32
        %dma_start3A_374 = tpu.memref_slice %arg3[%dma_start3A, %dma_start3A_373] : memref<32768x2048xf32, #tpu.memory_space<hbm>> -> memref<32768x2048xf32, #tpu.memory_space<hbm>>
        tpu.enqueue_indirect_dma source(%dma_start3A_374 : memref<32768x2048xf32, #tpu.memory_space<hbm>>) target(%arg8 : memref<16x2048xf32, #tpu.memory_space<vmem>>) offsets(%get3A_372 : vector<16xi32>) semaphore(%arg11 : memref<!tpu.dma_semaphore, #tpu.memory_space<semaphore_mem>>)
        %get3A_375 = arith.constant 16 : index
        %get3A_376 = tpu.vector_load %arg6[%get3A_375] {strides = array<i32>} : memref<1040xi32, #tpu.memory_space<vmem>>, vector<16xi32>,
        %get3A_377 = vector.shape_cast %get3A_376 : vector<16xi32> to vector<16xi32>
        %dma_start3A_378 = arith.constant 0 : i32
        %dma_start3A_379 = arith.constant 0 : i32
        %dma_start3A_380 = tpu.memref_slice %arg3[%dma_start3A_378, %dma_start3A_379] : memref<32768x2048xf32, #tpu.memory_space<hbm>> -> memref<32768x2048xf32, #tpu.memory_space<hbm>>
        tpu.enqueue_indirect_dma source(%dma_start3A_380 : memref<32768x2048xf32, #tpu.memory_space<hbm>>) target(%arg9 : memref<16x2048xf32, #tpu.memory_space<vmem>>) offsets(%get3A_377 : vector<16xi32>) semaphore(%arg11 : memref<!tpu.dma_semaphore, #tpu.memory_space<semaphore_mem>>)
      } else {
      }
      %sub3A_365 = arith.constant 16 : i32
      %sub3A_366 = arith.subi %sub3A_365, %squeeze3A_230 : i32
      %add3A_367 = arith.addi %scan3A_148, %sub3A_366 : i32
      %jit3A_368 = arith.constant 1 : i32
      %select_n3A_369 = arith.select %and3A_361, %jit3A_368, %scan3A_149 : i32
      scf.yield %add3A_356, %add3A_367, %select_n3A_369 : i32, i32, i32
    }
    %scan3A_10 = arith.constant 64 : i32
    %gt3A = arith.constant 0 : i32
    %gt3A_11 = arith.cmpi sgt, %scan3A_9#0, %gt3A : i32
    %get3A = arith.constant 0 : index
    %get3A_12 = tpu.vector_load %arg6[%get3A] {strides = array<i32>} : memref<1040xi32, #tpu.memory_space<vmem>>, vector<16xi32>,
    %get3A_13 = vector.shape_cast %get3A_12 : vector<16xi32> to vector<16xi32>
    %slice3A = vector.extract_strided_slice %get3A_13 {offsets = [0], sizes = [1], strides = [1]} : vector<16xi32> to vector<1xi32>
    %squeeze3A = vector.extract %slice3A[0] : i32 from vector<1xi32>
    %select_n3A = arith.select %gt3A_11, %squeeze3A, %mul3A_2 : i32
    %gt3A_14 = arith.constant 0 : i32
    %gt3A_15 = arith.cmpi sgt, %scan3A_9#1, %gt3A_14 : i32
    %get3A_16 = arith.constant 0 : index
    %get3A_17 = tpu.vector_load %arg7[%get3A_16] {strides = array<i32>} : memref<1040xi32, #tpu.memory_space<vmem>>, vector<16xi32>,
    %get3A_18 = vector.shape_cast %get3A_17 : vector<16xi32> to vector<16xi32>
    %slice3A_19 = vector.extract_strided_slice %get3A_18 {offsets = [0], sizes = [1], strides = [1]} : vector<16xi32> to vector<1xi32>
    %squeeze3A_20 = vector.extract %slice3A_19[0] : i32 from vector<1xi32>
    %select_n3A_21 = arith.select %gt3A_15, %squeeze3A_20, %mul3A_2 : i32
    %broadcast_in_dim3A = arith.constant 0 : i32
    %broadcast_in_dim3A_22 = vector.broadcast %broadcast_in_dim3A : i32 to vector<16xi32>
    %add3A_23 = vector.broadcast %select_n3A : i32 to vector<16xi32>
    %add3A_24 = arith.addi %broadcast_in_dim3A_22, %add3A_23 : vector<16xi32>
    %swap3A = arith.index_cast %scan3A_9#0 : i32 to index
    %swap3A_25 = tpu.vector_load %arg6[%swap3A] {strides = array<i32>} : memref<1040xi32, #tpu.memory_space<vmem>>, vector<16xi32>,
    %swap3A_26 = vector.shape_cast %swap3A_25 : vector<16xi32> to vector<16xi32>
    %swap3A_27 = vector.shape_cast %add3A_24 : vector<16xi32> to vector<16xi32>
    tpu.vector_store %arg6[%swap3A], %swap3A_27 {strides = array<i32>} : memref<1040xi32, #tpu.memory_space<vmem>>, vector<16xi32>,
    %broadcast_in_dim3A_28 = arith.constant 0 : i32
    %broadcast_in_dim3A_29 = vector.broadcast %broadcast_in_dim3A_28 : i32 to vector<16xi32>
    %add3A_30 = vector.broadcast %select_n3A_21 : i32 to vector<16xi32>
    %add3A_31 = arith.addi %broadcast_in_dim3A_29, %add3A_30 : vector<16xi32>
    %swap3A_32 = arith.index_cast %scan3A_9#1 : i32 to index
    %swap3A_33 = tpu.vector_load %arg7[%swap3A_32] {strides = array<i32>} : memref<1040xi32, #tpu.memory_space<vmem>>, vector<16xi32>,
    %swap3A_34 = vector.shape_cast %swap3A_33 : vector<16xi32> to vector<16xi32>
    %swap3A_35 = vector.shape_cast %add3A_31 : vector<16xi32> to vector<16xi32>
    tpu.vector_store %arg7[%swap3A_32], %swap3A_35 {strides = array<i32>} : memref<1040xi32, #tpu.memory_space<vmem>>, vector<16xi32>,
    %add3A_36 = arith.constant 16 : i32
    %add3A_37 = arith.addi %scan3A_9#0, %add3A_36 : i32
    %sub3A = arith.constant 1 : i32
    %sub3A_38 = arith.subi %add3A_37, %sub3A : i32
    %jit3A = arith.constant 16 : i32
    %div3A = arith.divsi %sub3A_38, %jit3A : i32
    %sign3A = arith.constant 0 : i32
    %sign3A_39 = arith.cmpi sgt, %sub3A_38, %sign3A : i32
    %sign3A_40 = arith.extui %sign3A_39 : i1 to i32
    %sign3A_41 = arith.constant 0 : i32
    %sign3A_42 = arith.cmpi slt, %sub3A_38, %sign3A_41 : i32
    %sign3A_43 = arith.extui %sign3A_42 : i1 to i32
    %sign3A_44 = arith.subi %sign3A_40, %sign3A_43 : i32
    %sign3A_45 = arith.constant 0 : i32
    %sign3A_46 = arith.cmpi sgt, %jit3A, %sign3A_45 : i32
    %sign3A_47 = arith.extui %sign3A_46 : i1 to i32
    %sign3A_48 = arith.constant 0 : i32
    %sign3A_49 = arith.cmpi slt, %jit3A, %sign3A_48 : i32
    %sign3A_50 = arith.extui %sign3A_49 : i1 to i32
    %sign3A_51 = arith.subi %sign3A_47, %sign3A_50 : i32
    %ne3A = arith.cmpi ne, %sign3A_44, %sign3A_51 : i32
    %rem3A = arith.remsi %sub3A_38, %jit3A : i32
    %ne3A_52 = arith.constant 0 : i32
    %ne3A_53 = arith.cmpi ne, %rem3A, %ne3A_52 : i32
    %and3A = arith.andi %ne3A, %ne3A_53 : i1
    %sub3A_54 = arith.constant 1 : i32
    %sub3A_55 = arith.subi %div3A, %sub3A_54 : i32
    %select_n3A_56 = arith.select %and3A, %sub3A_55, %div3A : i32
    %add3A_57 = arith.constant 16 : i32
    %add3A_58 = arith.addi %scan3A_9#1, %add3A_57 : i32
    %sub3A_59 = arith.constant 1 : i32
    %sub3A_60 = arith.subi %add3A_58, %sub3A_59 : i32
    %jit3A_61 = arith.constant 16 : i32
    %div3A_62 = arith.divsi %sub3A_60, %jit3A_61 : i32
    %sign3A_63 = arith.constant 0 : i32
    %sign3A_64 = arith.cmpi sgt, %sub3A_60, %sign3A_63 : i32
    %sign3A_65 = arith.extui %sign3A_64 : i1 to i32
    %sign3A_66 = arith.constant 0 : i32
    %sign3A_67 = arith.cmpi slt, %sub3A_60, %sign3A_66 : i32
    %sign3A_68 = arith.extui %sign3A_67 : i1 to i32
    %sign3A_69 = arith.subi %sign3A_65, %sign3A_68 : i32
    %sign3A_70 = arith.constant 0 : i32
    %sign3A_71 = arith.cmpi sgt, %jit3A_61, %sign3A_70 : i32
    %sign3A_72 = arith.extui %sign3A_71 : i1 to i32
    %sign3A_73 = arith.constant 0 : i32
    %sign3A_74 = arith.cmpi slt, %jit3A_61, %sign3A_73 : i32
    %sign3A_75 = arith.extui %sign3A_74 : i1 to i32
    %sign3A_76 = arith.subi %sign3A_72, %sign3A_75 : i32
    %ne3A_77 = arith.cmpi ne, %sign3A_69, %sign3A_76 : i32
    %rem3A_78 = arith.remsi %sub3A_60, %jit3A_61 : i32
    %ne3A_79 = arith.constant 0 : i32
    %ne3A_80 = arith.cmpi ne, %rem3A_78, %ne3A_79 : i32
    %and3A_81 = arith.andi %ne3A_77, %ne3A_80 : i1
    %sub3A_82 = arith.constant 1 : i32
    %sub3A_83 = arith.subi %div3A_62, %sub3A_82 : i32
    %select_n3A_84 = arith.select %and3A_81, %sub3A_83, %div3A_62 : i32
    %eq3A = arith.constant 0 : i32
    %eq3A_85 = arith.cmpi eq, %scan3A_9#2, %eq3A : i32
    %gt3A_86 = arith.constant 0 : i32
    %gt3A_87 = arith.cmpi sgt, %select_n3A_56, %gt3A_86 : i32
    %and3A_88 = arith.andi %eq3A_85, %gt3A_87 : i1
    %convert_element_type3A = arith.extui %and3A_88 : i1 to i32
    %cond3A = arith.constant 0 : i32
    %cond3A_89 = arith.cmpi ne, %convert_element_type3A, %cond3A : i32
    scf.if %cond3A_89 {
      %get3A_146 = arith.constant 0 : index
      %get3A_147 = tpu.vector_load %arg6[%get3A_146] {strides = array<i32>} : memref<1040xi32, #tpu.memory_space<vmem>>, vector<16xi32>,
      %get3A_148 = vector.shape_cast %get3A_147 : vector<16xi32> to vector<16xi32>
      %dma_start3A = arith.constant 0 : i32
      %dma_start3A_149 = arith.constant 0 : i32
      %dma_start3A_150 = tpu.memref_slice %arg3[%dma_start3A, %dma_start3A_149] : memref<32768x2048xf32, #tpu.memory_space<hbm>> -> memref<32768x2048xf32, #tpu.memory_space<hbm>>
      tpu.enqueue_indirect_dma source(%dma_start3A_150 : memref<32768x2048xf32, #tpu.memory_space<hbm>>) target(%arg8 : memref<16x2048xf32, #tpu.memory_space<vmem>>) offsets(%get3A_148 : vector<16xi32>) semaphore(%arg11 : memref<!tpu.dma_semaphore, #tpu.memory_space<semaphore_mem>>)
    } else {
    }
    %eq3A_90 = arith.constant 0 : i32
    %eq3A_91 = arith.cmpi eq, %scan3A_9#2, %eq3A_90 : i32
    %gt3A_92 = arith.constant 1 : i32
    %gt3A_93 = arith.cmpi sgt, %select_n3A_56, %gt3A_92 : i32
    %and3A_94 = arith.andi %eq3A_91, %gt3A_93 : i1
    %convert_element_type3A_95 = arith.extui %and3A_94 : i1 to i32
    %cond3A_96 = arith.constant 0 : i32
    %cond3A_97 = arith.cmpi ne, %convert_element_type3A_95, %cond3A_96 : i32
    scf.if %cond3A_97 {
      %get3A_146 = arith.constant 16 : index
      %get3A_147 = tpu.vector_load %arg6[%get3A_146] {strides = array<i32>} : memref<1040xi32, #tpu.memory_space<vmem>>, vector<16xi32>,
      %get3A_148 = vector.shape_cast %get3A_147 : vector<16xi32> to vector<16xi32>
      %dma_start3A = arith.constant 0 : i32
      %dma_start3A_149 = arith.constant 0 : i32
      %dma_start3A_150 = tpu.memref_slice %arg3[%dma_start3A, %dma_start3A_149] : memref<32768x2048xf32, #tpu.memory_space<hbm>> -> memref<32768x2048xf32, #tpu.memory_space<hbm>>
      tpu.enqueue_indirect_dma source(%dma_start3A_150 : memref<32768x2048xf32, #tpu.memory_space<hbm>>) target(%arg9 : memref<16x2048xf32, #tpu.memory_space<vmem>>) offsets(%get3A_148 : vector<16xi32>) semaphore(%arg11 : memref<!tpu.dma_semaphore, #tpu.memory_space<semaphore_mem>>)
    } else {
    }
    %while3A = arith.constant 0 : i32
    %while3A_98 = arith.constant 0 : i32
    %while3A_99 = arith.subi %select_n3A_56, %while3A_98 : i32
    %while3A_100 = arith.addi %while3A_98, %while3A_99 : i32
    %while3A_101 = arith.constant 1 : i32
    %while3A_102 = arith.divsi %while3A_99, %while3A_101 : i32
    %while3A_103 = arith.muli %while3A_102, %while3A_101 : i32
    %while3A_104 = arith.addi %while3A_98, %while3A_103 : i32
    %while3A_105 = arith.constant 1 : i32
    scf.for %while3A_146 = %while3A_98 to %while3A_104 step %while3A_105  : i32 {
      %dma_wait3A = arith.constant 0 : i32
      %dma_wait3A_147 = arith.constant 0 : i32
      %dma_wait3A_148 = tpu.memref_slice %arg3[%dma_wait3A, %dma_wait3A_147] : memref<32768x2048xf32, #tpu.memory_space<hbm>> -> memref<16x2048xf32, #tpu.memory_space<hbm>>
      %dma_wait3A_149 = arith.constant 0 : i32
      %dma_wait3A_150 = arith.constant 0 : i32
      %dma_wait3A_151 = tpu.memref_slice %arg3[%dma_wait3A_149, %dma_wait3A_150] : memref<32768x2048xf32, #tpu.memory_space<hbm>> -> memref<16x2048xf32, #tpu.memory_space<hbm>>
      tpu.wait_dma2 semaphore(%arg11 : memref<!tpu.dma_semaphore, #tpu.memory_space<semaphore_mem>>) src(%dma_wait3A_151 : memref<16x2048xf32, #tpu.memory_space<hbm>>) dst(%arg8 : memref<16x2048xf32, #tpu.memory_space<vmem>>)
      %jit3A_152 = arith.constant 3 : i32
      %eq3A_153 = arith.constant 0 : i32
      %eq3A_154 = arith.cmpi eq, %jit3A_152, %eq3A_153 : i32
      %jit3A_155 = arith.constant 1 : i32
      %select_n3A_156 = arith.select %eq3A_154, %jit3A_155, %jit3A_152 : i32
      %rem3A_157 = arith.remsi %while3A_146, %select_n3A_156 : i32
      %ne3A_158 = arith.constant 0 : i32
      %ne3A_159 = arith.cmpi ne, %rem3A_157, %ne3A_158 : i32
      %lt3A = arith.constant 0 : i32
      %lt3A_160 = arith.cmpi slt, %rem3A_157, %lt3A : i32
      %lt3A_161 = arith.constant 0 : i32
      %lt3A_162 = arith.cmpi slt, %select_n3A_156, %lt3A_161 : i32
      %ne3A_163 = arith.xori %lt3A_160, %lt3A_162 : i1
      %and3A_164 = arith.andi %ne3A_163, %ne3A_159 : i1
      %add3A_165 = arith.addi %rem3A_157, %select_n3A_156 : i32
      %select_n3A_166 = arith.select %and3A_164, %add3A_165, %rem3A_157 : i32
      %eq3A_167 = arith.constant 0 : i32
      %eq3A_168 = arith.cmpi eq, %select_n3A_166, %eq3A_167 : i32
      %convert_element_type3A_169 = arith.extui %eq3A_168 : i1 to i32
      %cond3A_170 = arith.constant 0 : i32
      %cond3A_171 = arith.cmpi ne, %convert_element_type3A_169, %cond3A_170 : i32
      scf.if %cond3A_171 {
        %mul3A_188 = arith.constant 16 : i32
        %mul3A_189 = arith.muli %while3A_146, %mul3A_188 : i32
        %get3A_190 = arith.index_cast %mul3A_189 : i32 to index
        %get3A_191 = tpu.vector_load %arg6[%get3A_190] {strides = array<i32>} : memref<1040xi32, #tpu.memory_space<vmem>>, vector<16xi32>,
        %get3A_192 = vector.shape_cast %get3A_191 : vector<16xi32> to vector<16xi32>
        %dma_start3A = arith.constant 0 : i32
        %dma_start3A_193 = arith.constant 0 : i32
        %dma_start3A_194 = tpu.memref_slice %arg4[%dma_start3A, %dma_start3A_193] : memref<32768x2048xf32, #tpu.memory_space<hbm>> -> memref<32768x2048xf32, #tpu.memory_space<hbm>>
        tpu.enqueue_indirect_dma source(%arg8 : memref<16x2048xf32, #tpu.memory_space<vmem>>) target(%dma_start3A_194 : memref<32768x2048xf32, #tpu.memory_space<hbm>>) offsets(%get3A_192 : vector<16xi32>) semaphore(%arg12 : memref<!tpu.dma_semaphore, #tpu.memory_space<semaphore_mem>>)
      } else {
      }
      %eq3A_172 = arith.constant 1 : i32
      %eq3A_173 = arith.cmpi eq, %select_n3A_166, %eq3A_172 : i32
      %convert_element_type3A_174 = arith.extui %eq3A_173 : i1 to i32
      %cond3A_175 = arith.constant 0 : i32
      %cond3A_176 = arith.cmpi ne, %convert_element_type3A_174, %cond3A_175 : i32
      scf.if %cond3A_176 {
        %mul3A_188 = arith.constant 16 : i32
        %mul3A_189 = arith.muli %while3A_146, %mul3A_188 : i32
        %get3A_190 = arith.index_cast %mul3A_189 : i32 to index
        %get3A_191 = tpu.vector_load %arg6[%get3A_190] {strides = array<i32>} : memref<1040xi32, #tpu.memory_space<vmem>>, vector<16xi32>,
        %get3A_192 = vector.shape_cast %get3A_191 : vector<16xi32> to vector<16xi32>
        %dma_start3A = arith.constant 0 : i32
        %dma_start3A_193 = arith.constant 0 : i32
        %dma_start3A_194 = tpu.memref_slice %arg4[%dma_start3A, %dma_start3A_193] : memref<32768x2048xf32, #tpu.memory_space<hbm>> -> memref<32768x2048xf32, #tpu.memory_space<hbm>>
        tpu.enqueue_indirect_dma source(%arg9 : memref<16x2048xf32, #tpu.memory_space<vmem>>) target(%dma_start3A_194 : memref<32768x2048xf32, #tpu.memory_space<hbm>>) offsets(%get3A_192 : vector<16xi32>) semaphore(%arg12 : memref<!tpu.dma_semaphore, #tpu.memory_space<semaphore_mem>>)
      } else {
      }
      %eq3A_177 = arith.constant 2 : i32
      %eq3A_178 = arith.cmpi eq, %select_n3A_166, %eq3A_177 : i32
      %convert_element_type3A_179 = arith.extui %eq3A_178 : i1 to i32
      %cond3A_180 = arith.constant 0 : i32
      %cond3A_181 = arith.cmpi ne, %convert_element_type3A_179, %cond3A_180 : i32
      scf.if %cond3A_181 {
        %mul3A_188 = arith.constant 16 : i32
        %mul3A_189 = arith.muli %while3A_146, %mul3A_188 : i32
        %get3A_190 = arith.index_cast %mul3A_189 : i32 to index
        %get3A_191 = tpu.vector_load %arg6[%get3A_190] {strides = array<i32>} : memref<1040xi32, #tpu.memory_space<vmem>>, vector<16xi32>,
        %get3A_192 = vector.shape_cast %get3A_191 : vector<16xi32> to vector<16xi32>
        %dma_start3A = arith.constant 0 : i32
        %dma_start3A_193 = arith.constant 0 : i32
        %dma_start3A_194 = tpu.memref_slice %arg4[%dma_start3A, %dma_start3A_193] : memref<32768x2048xf32, #tpu.memory_space<hbm>> -> memref<32768x2048xf32, #tpu.memory_space<hbm>>
        tpu.enqueue_indirect_dma source(%arg10 : memref<16x2048xf32, #tpu.memory_space<vmem>>) target(%dma_start3A_194 : memref<32768x2048xf32, #tpu.memory_space<hbm>>) offsets(%get3A_192 : vector<16xi32>) semaphore(%arg12 : memref<!tpu.dma_semaphore, #tpu.memory_space<semaphore_mem>>)
      } else {
      }
      %add3A_182 = arith.constant 2 : i32
      %add3A_183 = arith.addi %while3A_146, %add3A_182 : i32
      %lt3A_184 = arith.cmpi slt, %add3A_183, %select_n3A_56 : i32
      %convert_element_type3A_185 = arith.extui %lt3A_184 : i1 to i32
      %cond3A_186 = arith.constant 0 : i32
      %cond3A_187 = arith.cmpi ne, %convert_element_type3A_185, %cond3A_186 : i32
      scf.if %cond3A_187 {
        %ge3A = arith.constant 1 : i32
        %ge3A_188 = arith.cmpi sge, %while3A_146, %ge3A : i32
        %convert_element_type3A_189 = arith.extui %ge3A_188 : i1 to i32
        %cond3A_190 = arith.constant 0 : i32
        %cond3A_191 = arith.cmpi ne, %convert_element_type3A_189, %cond3A_190 : i32
        scf.if %cond3A_191 {
          %dma_wait3A_225 = arith.constant 0 : i32
          %dma_wait3A_226 = arith.constant 0 : i32
          %dma_wait3A_227 = tpu.memref_slice %arg4[%dma_wait3A_225, %dma_wait3A_226] : memref<32768x2048xf32, #tpu.memory_space<hbm>> -> memref<16x2048xf32, #tpu.memory_space<hbm>>
          %dma_wait3A_228 = arith.constant 0 : i32
          %dma_wait3A_229 = arith.constant 0 : i32
          %dma_wait3A_230 = tpu.memref_slice %arg4[%dma_wait3A_228, %dma_wait3A_229] : memref<32768x2048xf32, #tpu.memory_space<hbm>> -> memref<16x2048xf32, #tpu.memory_space<hbm>>
          tpu.wait_dma2 semaphore(%arg12 : memref<!tpu.dma_semaphore, #tpu.memory_space<semaphore_mem>>) src(%arg8 : memref<16x2048xf32, #tpu.memory_space<vmem>>) dst(%dma_wait3A_230 : memref<16x2048xf32, #tpu.memory_space<hbm>>)
        } else {
        }
        %add3A_192 = arith.constant 2 : i32
        %add3A_193 = arith.addi %while3A_146, %add3A_192 : i32
        %jit3A_194 = arith.constant 3 : i32
        %eq3A_195 = arith.constant 0 : i32
        %eq3A_196 = arith.cmpi eq, %jit3A_194, %eq3A_195 : i32
        %jit3A_197 = arith.constant 1 : i32
        %select_n3A_198 = arith.select %eq3A_196, %jit3A_197, %jit3A_194 : i32
        %rem3A_199 = arith.remsi %add3A_193, %select_n3A_198 : i32
        %ne3A_200 = arith.constant 0 : i32
        %ne3A_201 = arith.cmpi ne, %rem3A_199, %ne3A_200 : i32
        %lt3A_202 = arith.constant 0 : i32
        %lt3A_203 = arith.cmpi slt, %rem3A_199, %lt3A_202 : i32
        %lt3A_204 = arith.constant 0 : i32
        %lt3A_205 = arith.cmpi slt, %select_n3A_198, %lt3A_204 : i32
        %ne3A_206 = arith.xori %lt3A_203, %lt3A_205 : i1
        %and3A_207 = arith.andi %ne3A_206, %ne3A_201 : i1
        %add3A_208 = arith.addi %rem3A_199, %select_n3A_198 : i32
        %select_n3A_209 = arith.select %and3A_207, %add3A_208, %rem3A_199 : i32
        %eq3A_210 = arith.constant 0 : i32
        %eq3A_211 = arith.cmpi eq, %select_n3A_209, %eq3A_210 : i32
        %convert_element_type3A_212 = arith.extui %eq3A_211 : i1 to i32
        %cond3A_213 = arith.constant 0 : i32
        %cond3A_214 = arith.cmpi ne, %convert_element_type3A_212, %cond3A_213 : i32
        scf.if %cond3A_214 {
          %add3A_225 = arith.constant 2 : i32
          %add3A_226 = arith.addi %while3A_146, %add3A_225 : i32
          %mul3A_227 = arith.constant 16 : i32
          %mul3A_228 = arith.muli %add3A_226, %mul3A_227 : i32
          %get3A_229 = arith.index_cast %mul3A_228 : i32 to index
          %get3A_230 = tpu.vector_load %arg6[%get3A_229] {strides = array<i32>} : memref<1040xi32, #tpu.memory_space<vmem>>, vector<16xi32>,
          %get3A_231 = vector.shape_cast %get3A_230 : vector<16xi32> to vector<16xi32>
          %dma_start3A = arith.constant 0 : i32
          %dma_start3A_232 = arith.constant 0 : i32
          %dma_start3A_233 = tpu.memref_slice %arg3[%dma_start3A, %dma_start3A_232] : memref<32768x2048xf32, #tpu.memory_space<hbm>> -> memref<32768x2048xf32, #tpu.memory_space<hbm>>
          tpu.enqueue_indirect_dma source(%dma_start3A_233 : memref<32768x2048xf32, #tpu.memory_space<hbm>>) target(%arg8 : memref<16x2048xf32, #tpu.memory_space<vmem>>) offsets(%get3A_231 : vector<16xi32>) semaphore(%arg11 : memref<!tpu.dma_semaphore, #tpu.memory_space<semaphore_mem>>)
        } else {
        }
        %eq3A_215 = arith.constant 1 : i32
        %eq3A_216 = arith.cmpi eq, %select_n3A_209, %eq3A_215 : i32
        %convert_element_type3A_217 = arith.extui %eq3A_216 : i1 to i32
        %cond3A_218 = arith.constant 0 : i32
        %cond3A_219 = arith.cmpi ne, %convert_element_type3A_217, %cond3A_218 : i32
        scf.if %cond3A_219 {
          %add3A_225 = arith.constant 2 : i32
          %add3A_226 = arith.addi %while3A_146, %add3A_225 : i32
          %mul3A_227 = arith.constant 16 : i32
          %mul3A_228 = arith.muli %add3A_226, %mul3A_227 : i32
          %get3A_229 = arith.index_cast %mul3A_228 : i32 to index
          %get3A_230 = tpu.vector_load %arg6[%get3A_229] {strides = array<i32>} : memref<1040xi32, #tpu.memory_space<vmem>>, vector<16xi32>,
          %get3A_231 = vector.shape_cast %get3A_230 : vector<16xi32> to vector<16xi32>
          %dma_start3A = arith.constant 0 : i32
          %dma_start3A_232 = arith.constant 0 : i32
          %dma_start3A_233 = tpu.memref_slice %arg3[%dma_start3A, %dma_start3A_232] : memref<32768x2048xf32, #tpu.memory_space<hbm>> -> memref<32768x2048xf32, #tpu.memory_space<hbm>>
          tpu.enqueue_indirect_dma source(%dma_start3A_233 : memref<32768x2048xf32, #tpu.memory_space<hbm>>) target(%arg9 : memref<16x2048xf32, #tpu.memory_space<vmem>>) offsets(%get3A_231 : vector<16xi32>) semaphore(%arg11 : memref<!tpu.dma_semaphore, #tpu.memory_space<semaphore_mem>>)
        } else {
        }
        %eq3A_220 = arith.constant 2 : i32
        %eq3A_221 = arith.cmpi eq, %select_n3A_209, %eq3A_220 : i32
        %convert_element_type3A_222 = arith.extui %eq3A_221 : i1 to i32
        %cond3A_223 = arith.constant 0 : i32
        %cond3A_224 = arith.cmpi ne, %convert_element_type3A_222, %cond3A_223 : i32
        scf.if %cond3A_224 {
          %add3A_225 = arith.constant 2 : i32
          %add3A_226 = arith.addi %while3A_146, %add3A_225 : i32
          %mul3A_227 = arith.constant 16 : i32
          %mul3A_228 = arith.muli %add3A_226, %mul3A_227 : i32
          %get3A_229 = arith.index_cast %mul3A_228 : i32 to index
          %get3A_230 = tpu.vector_load %arg6[%get3A_229] {strides = array<i32>} : memref<1040xi32, #tpu.memory_space<vmem>>, vector<16xi32>,
          %get3A_231 = vector.shape_cast %get3A_230 : vector<16xi32> to vector<16xi32>
          %dma_start3A = arith.constant 0 : i32
          %dma_start3A_232 = arith.constant 0 : i32
          %dma_start3A_233 = tpu.memref_slice %arg3[%dma_start3A, %dma_start3A_232] : memref<32768x2048xf32, #tpu.memory_space<hbm>> -> memref<32768x2048xf32, #tpu.memory_space<hbm>>
          tpu.enqueue_indirect_dma source(%dma_start3A_233 : memref<32768x2048xf32, #tpu.memory_space<hbm>>) target(%arg10 : memref<16x2048xf32, #tpu.memory_space<vmem>>) offsets(%get3A_231 : vector<16xi32>) semaphore(%arg11 : memref<!tpu.dma_semaphore, #tpu.memory_space<semaphore_mem>>)
        } else {
        }
      } else {
      }
    }
    %while3A_106 = arith.constant 1 : i32
    scf.for %while3A_146 = %while3A_104 to %while3A_100 step %while3A_106  : i32 {
      %dma_wait3A = arith.constant 0 : i32
      %dma_wait3A_147 = arith.constant 0 : i32
      %dma_wait3A_148 = tpu.memref_slice %arg3[%dma_wait3A, %dma_wait3A_147] : memref<32768x2048xf32, #tpu.memory_space<hbm>> -> memref<16x2048xf32, #tpu.memory_space<hbm>>
      %dma_wait3A_149 = arith.constant 0 : i32
      %dma_wait3A_150 = arith.constant 0 : i32
      %dma_wait3A_151 = tpu.memref_slice %arg3[%dma_wait3A_149, %dma_wait3A_150] : memref<32768x2048xf32, #tpu.memory_space<hbm>> -> memref<16x2048xf32, #tpu.memory_space<hbm>>
      tpu.wait_dma2 semaphore(%arg11 : memref<!tpu.dma_semaphore, #tpu.memory_space<semaphore_mem>>) src(%dma_wait3A_151 : memref<16x2048xf32, #tpu.memory_space<hbm>>) dst(%arg8 : memref<16x2048xf32, #tpu.memory_space<vmem>>)
      %jit3A_152 = arith.constant 3 : i32
      %eq3A_153 = arith.constant 0 : i32
      %eq3A_154 = arith.cmpi eq, %jit3A_152, %eq3A_153 : i32
      %jit3A_155 = arith.constant 1 : i32
      %select_n3A_156 = arith.select %eq3A_154, %jit3A_155, %jit3A_152 : i32
      %rem3A_157 = arith.remsi %while3A_146, %select_n3A_156 : i32
      %ne3A_158 = arith.constant 0 : i32
      %ne3A_159 = arith.cmpi ne, %rem3A_157, %ne3A_158 : i32
      %lt3A = arith.constant 0 : i32
      %lt3A_160 = arith.cmpi slt, %rem3A_157, %lt3A : i32
      %lt3A_161 = arith.constant 0 : i32
      %lt3A_162 = arith.cmpi slt, %select_n3A_156, %lt3A_161 : i32
      %ne3A_163 = arith.xori %lt3A_160, %lt3A_162 : i1
      %and3A_164 = arith.andi %ne3A_163, %ne3A_159 : i1
      %add3A_165 = arith.addi %rem3A_157, %select_n3A_156 : i32
      %select_n3A_166 = arith.select %and3A_164, %add3A_165, %rem3A_157 : i32
      %eq3A_167 = arith.constant 0 : i32
      %eq3A_168 = arith.cmpi eq, %select_n3A_166, %eq3A_167 : i32
      %convert_element_type3A_169 = arith.extui %eq3A_168 : i1 to i32
      %cond3A_170 = arith.constant 0 : i32
      %cond3A_171 = arith.cmpi ne, %convert_element_type3A_169, %cond3A_170 : i32
      scf.if %cond3A_171 {
        %mul3A_188 = arith.constant 16 : i32
        %mul3A_189 = arith.muli %while3A_146, %mul3A_188 : i32
        %get3A_190 = arith.index_cast %mul3A_189 : i32 to index
        %get3A_191 = tpu.vector_load %arg6[%get3A_190] {strides = array<i32>} : memref<1040xi32, #tpu.memory_space<vmem>>, vector<16xi32>,
        %get3A_192 = vector.shape_cast %get3A_191 : vector<16xi32> to vector<16xi32>
        %dma_start3A = arith.constant 0 : i32
        %dma_start3A_193 = arith.constant 0 : i32
        %dma_start3A_194 = tpu.memref_slice %arg4[%dma_start3A, %dma_start3A_193] : memref<32768x2048xf32, #tpu.memory_space<hbm>> -> memref<32768x2048xf32, #tpu.memory_space<hbm>>
        tpu.enqueue_indirect_dma source(%arg8 : memref<16x2048xf32, #tpu.memory_space<vmem>>) target(%dma_start3A_194 : memref<32768x2048xf32, #tpu.memory_space<hbm>>) offsets(%get3A_192 : vector<16xi32>) semaphore(%arg12 : memref<!tpu.dma_semaphore, #tpu.memory_space<semaphore_mem>>)
      } else {
      }
      %eq3A_172 = arith.constant 1 : i32
      %eq3A_173 = arith.cmpi eq, %select_n3A_166, %eq3A_172 : i32
      %convert_element_type3A_174 = arith.extui %eq3A_173 : i1 to i32
      %cond3A_175 = arith.constant 0 : i32
      %cond3A_176 = arith.cmpi ne, %convert_element_type3A_174, %cond3A_175 : i32
      scf.if %cond3A_176 {
        %mul3A_188 = arith.constant 16 : i32
        %mul3A_189 = arith.muli %while3A_146, %mul3A_188 : i32
        %get3A_190 = arith.index_cast %mul3A_189 : i32 to index
        %get3A_191 = tpu.vector_load %arg6[%get3A_190] {strides = array<i32>} : memref<1040xi32, #tpu.memory_space<vmem>>, vector<16xi32>,
        %get3A_192 = vector.shape_cast %get3A_191 : vector<16xi32> to vector<16xi32>
        %dma_start3A = arith.constant 0 : i32
        %dma_start3A_193 = arith.constant 0 : i32
        %dma_start3A_194 = tpu.memref_slice %arg4[%dma_start3A, %dma_start3A_193] : memref<32768x2048xf32, #tpu.memory_space<hbm>> -> memref<32768x2048xf32, #tpu.memory_space<hbm>>
        tpu.enqueue_indirect_dma source(%arg9 : memref<16x2048xf32, #tpu.memory_space<vmem>>) target(%dma_start3A_194 : memref<32768x2048xf32, #tpu.memory_space<hbm>>) offsets(%get3A_192 : vector<16xi32>) semaphore(%arg12 : memref<!tpu.dma_semaphore, #tpu.memory_space<semaphore_mem>>)
      } else {
      }
      %eq3A_177 = arith.constant 2 : i32
      %eq3A_178 = arith.cmpi eq, %select_n3A_166, %eq3A_177 : i32
      %convert_element_type3A_179 = arith.extui %eq3A_178 : i1 to i32
      %cond3A_180 = arith.constant 0 : i32
      %cond3A_181 = arith.cmpi ne, %convert_element_type3A_179, %cond3A_180 : i32
      scf.if %cond3A_181 {
        %mul3A_188 = arith.constant 16 : i32
        %mul3A_189 = arith.muli %while3A_146, %mul3A_188 : i32
        %get3A_190 = arith.index_cast %mul3A_189 : i32 to index
        %get3A_191 = tpu.vector_load %arg6[%get3A_190] {strides = array<i32>} : memref<1040xi32, #tpu.memory_space<vmem>>, vector<16xi32>,
        %get3A_192 = vector.shape_cast %get3A_191 : vector<16xi32> to vector<16xi32>
        %dma_start3A = arith.constant 0 : i32
        %dma_start3A_193 = arith.constant 0 : i32
        %dma_start3A_194 = tpu.memref_slice %arg4[%dma_start3A, %dma_start3A_193] : memref<32768x2048xf32, #tpu.memory_space<hbm>> -> memref<32768x2048xf32, #tpu.memory_space<hbm>>
        tpu.enqueue_indirect_dma source(%arg10 : memref<16x2048xf32, #tpu.memory_space<vmem>>) target(%dma_start3A_194 : memref<32768x2048xf32, #tpu.memory_space<hbm>>) offsets(%get3A_192 : vector<16xi32>) semaphore(%arg12 : memref<!tpu.dma_semaphore, #tpu.memory_space<semaphore_mem>>)
      } else {
      }
      %add3A_182 = arith.constant 2 : i32
      %add3A_183 = arith.addi %while3A_146, %add3A_182 : i32
      %lt3A_184 = arith.cmpi slt, %add3A_183, %select_n3A_56 : i32
      %convert_element_type3A_185 = arith.extui %lt3A_184 : i1 to i32
      %cond3A_186 = arith.constant 0 : i32
      %cond3A_187 = arith.cmpi ne, %convert_element_type3A_185, %cond3A_186 : i32
      scf.if %cond3A_187 {
        %ge3A = arith.constant 1 : i32
        %ge3A_188 = arith.cmpi sge, %while3A_146, %ge3A : i32
        %convert_element_type3A_189 = arith.extui %ge3A_188 : i1 to i32
        %cond3A_190 = arith.constant 0 : i32
        %cond3A_191 = arith.cmpi ne, %convert_element_type3A_189, %cond3A_190 : i32
        scf.if %cond3A_191 {
          %dma_wait3A_225 = arith.constant 0 : i32
          %dma_wait3A_226 = arith.constant 0 : i32
          %dma_wait3A_227 = tpu.memref_slice %arg4[%dma_wait3A_225, %dma_wait3A_226] : memref<32768x2048xf32, #tpu.memory_space<hbm>> -> memref<16x2048xf32, #tpu.memory_space<hbm>>
          %dma_wait3A_228 = arith.constant 0 : i32
          %dma_wait3A_229 = arith.constant 0 : i32
          %dma_wait3A_230 = tpu.memref_slice %arg4[%dma_wait3A_228, %dma_wait3A_229] : memref<32768x2048xf32, #tpu.memory_space<hbm>> -> memref<16x2048xf32, #tpu.memory_space<hbm>>
          tpu.wait_dma2 semaphore(%arg12 : memref<!tpu.dma_semaphore, #tpu.memory_space<semaphore_mem>>) src(%arg8 : memref<16x2048xf32, #tpu.memory_space<vmem>>) dst(%dma_wait3A_230 : memref<16x2048xf32, #tpu.memory_space<hbm>>)
        } else {
        }
        %add3A_192 = arith.constant 2 : i32
        %add3A_193 = arith.addi %while3A_146, %add3A_192 : i32
        %jit3A_194 = arith.constant 3 : i32
        %eq3A_195 = arith.constant 0 : i32
        %eq3A_196 = arith.cmpi eq, %jit3A_194, %eq3A_195 : i32
        %jit3A_197 = arith.constant 1 : i32
        %select_n3A_198 = arith.select %eq3A_196, %jit3A_197, %jit3A_194 : i32
        %rem3A_199 = arith.remsi %add3A_193, %select_n3A_198 : i32
        %ne3A_200 = arith.constant 0 : i32
        %ne3A_201 = arith.cmpi ne, %rem3A_199, %ne3A_200 : i32
        %lt3A_202 = arith.constant 0 : i32
        %lt3A_203 = arith.cmpi slt, %rem3A_199, %lt3A_202 : i32
        %lt3A_204 = arith.constant 0 : i32
        %lt3A_205 = arith.cmpi slt, %select_n3A_198, %lt3A_204 : i32
        %ne3A_206 = arith.xori %lt3A_203, %lt3A_205 : i1
        %and3A_207 = arith.andi %ne3A_206, %ne3A_201 : i1
        %add3A_208 = arith.addi %rem3A_199, %select_n3A_198 : i32
        %select_n3A_209 = arith.select %and3A_207, %add3A_208, %rem3A_199 : i32
        %eq3A_210 = arith.constant 0 : i32
        %eq3A_211 = arith.cmpi eq, %select_n3A_209, %eq3A_210 : i32
        %convert_element_type3A_212 = arith.extui %eq3A_211 : i1 to i32
        %cond3A_213 = arith.constant 0 : i32
        %cond3A_214 = arith.cmpi ne, %convert_element_type3A_212, %cond3A_213 : i32
        scf.if %cond3A_214 {
          %add3A_225 = arith.constant 2 : i32
          %add3A_226 = arith.addi %while3A_146, %add3A_225 : i32
          %mul3A_227 = arith.constant 16 : i32
          %mul3A_228 = arith.muli %add3A_226, %mul3A_227 : i32
          %get3A_229 = arith.index_cast %mul3A_228 : i32 to index
          %get3A_230 = tpu.vector_load %arg6[%get3A_229] {strides = array<i32>} : memref<1040xi32, #tpu.memory_space<vmem>>, vector<16xi32>,
          %get3A_231 = vector.shape_cast %get3A_230 : vector<16xi32> to vector<16xi32>
          %dma_start3A = arith.constant 0 : i32
          %dma_start3A_232 = arith.constant 0 : i32
          %dma_start3A_233 = tpu.memref_slice %arg3[%dma_start3A, %dma_start3A_232] : memref<32768x2048xf32, #tpu.memory_space<hbm>> -> memref<32768x2048xf32, #tpu.memory_space<hbm>>
          tpu.enqueue_indirect_dma source(%dma_start3A_233 : memref<32768x2048xf32, #tpu.memory_space<hbm>>) target(%arg8 : memref<16x2048xf32, #tpu.memory_space<vmem>>) offsets(%get3A_231 : vector<16xi32>) semaphore(%arg11 : memref<!tpu.dma_semaphore, #tpu.memory_space<semaphore_mem>>)
        } else {
        }
        %eq3A_215 = arith.constant 1 : i32
        %eq3A_216 = arith.cmpi eq, %select_n3A_209, %eq3A_215 : i32
        %convert_element_type3A_217 = arith.extui %eq3A_216 : i1 to i32
        %cond3A_218 = arith.constant 0 : i32
        %cond3A_219 = arith.cmpi ne, %convert_element_type3A_217, %cond3A_218 : i32
        scf.if %cond3A_219 {
          %add3A_225 = arith.constant 2 : i32
          %add3A_226 = arith.addi %while3A_146, %add3A_225 : i32
          %mul3A_227 = arith.constant 16 : i32
          %mul3A_228 = arith.muli %add3A_226, %mul3A_227 : i32
          %get3A_229 = arith.index_cast %mul3A_228 : i32 to index
          %get3A_230 = tpu.vector_load %arg6[%get3A_229] {strides = array<i32>} : memref<1040xi32, #tpu.memory_space<vmem>>, vector<16xi32>,
          %get3A_231 = vector.shape_cast %get3A_230 : vector<16xi32> to vector<16xi32>
          %dma_start3A = arith.constant 0 : i32
          %dma_start3A_232 = arith.constant 0 : i32
          %dma_start3A_233 = tpu.memref_slice %arg3[%dma_start3A, %dma_start3A_232] : memref<32768x2048xf32, #tpu.memory_space<hbm>> -> memref<32768x2048xf32, #tpu.memory_space<hbm>>
          tpu.enqueue_indirect_dma source(%dma_start3A_233 : memref<32768x2048xf32, #tpu.memory_space<hbm>>) target(%arg9 : memref<16x2048xf32, #tpu.memory_space<vmem>>) offsets(%get3A_231 : vector<16xi32>) semaphore(%arg11 : memref<!tpu.dma_semaphore, #tpu.memory_space<semaphore_mem>>)
        } else {
        }
        %eq3A_220 = arith.constant 2 : i32
        %eq3A_221 = arith.cmpi eq, %select_n3A_209, %eq3A_220 : i32
        %convert_element_type3A_222 = arith.extui %eq3A_221 : i1 to i32
        %cond3A_223 = arith.constant 0 : i32
        %cond3A_224 = arith.cmpi ne, %convert_element_type3A_222, %cond3A_223 : i32
        scf.if %cond3A_224 {
          %add3A_225 = arith.constant 2 : i32
          %add3A_226 = arith.addi %while3A_146, %add3A_225 : i32
          %mul3A_227 = arith.constant 16 : i32
          %mul3A_228 = arith.muli %add3A_226, %mul3A_227 : i32
          %get3A_229 = arith.index_cast %mul3A_228 : i32 to index
          %get3A_230 = tpu.vector_load %arg6[%get3A_229] {strides = array<i32>} : memref<1040xi32, #tpu.memory_space<vmem>>, vector<16xi32>,
          %get3A_231 = vector.shape_cast %get3A_230 : vector<16xi32> to vector<16xi32>
          %dma_start3A = arith.constant 0 : i32
          %dma_start3A_232 = arith.constant 0 : i32
          %dma_start3A_233 = tpu.memref_slice %arg3[%dma_start3A, %dma_start3A_232] : memref<32768x2048xf32, #tpu.memory_space<hbm>> -> memref<32768x2048xf32, #tpu.memory_space<hbm>>
          tpu.enqueue_indirect_dma source(%dma_start3A_233 : memref<32768x2048xf32, #tpu.memory_space<hbm>>) target(%arg10 : memref<16x2048xf32, #tpu.memory_space<vmem>>) offsets(%get3A_231 : vector<16xi32>) semaphore(%arg11 : memref<!tpu.dma_semaphore, #tpu.memory_space<semaphore_mem>>)
        } else {
        }
      } else {
      }
    }
    %min3A = arith.constant 3 : i32
    %min3A_107 = arith.minsi %select_n3A_56, %min3A : i32
    %while3A_108 = arith.constant 0 : i32
    %while3A_109 = arith.constant 0 : i32
    %while3A_110 = arith.subi %min3A_107, %while3A_109 : i32
    %while3A_111 = arith.addi %while3A_109, %while3A_110 : i32
    %while3A_112 = arith.constant 1 : i32
    %while3A_113 = arith.divsi %while3A_110, %while3A_112 : i32
    %while3A_114 = arith.muli %while3A_113, %while3A_112 : i32
    %while3A_115 = arith.addi %while3A_109, %while3A_114 : i32
    %while3A_116 = arith.constant 1 : i32
    scf.for %while3A_146 = %while3A_109 to %while3A_115 step %while3A_116  : i32 {
      %dma_wait3A = arith.constant 0 : i32
      %dma_wait3A_147 = arith.constant 0 : i32
      %dma_wait3A_148 = tpu.memref_slice %arg4[%dma_wait3A, %dma_wait3A_147] : memref<32768x2048xf32, #tpu.memory_space<hbm>> -> memref<16x2048xf32, #tpu.memory_space<hbm>>
      %dma_wait3A_149 = arith.constant 0 : i32
      %dma_wait3A_150 = arith.constant 0 : i32
      %dma_wait3A_151 = tpu.memref_slice %arg4[%dma_wait3A_149, %dma_wait3A_150] : memref<32768x2048xf32, #tpu.memory_space<hbm>> -> memref<16x2048xf32, #tpu.memory_space<hbm>>
      tpu.wait_dma2 semaphore(%arg12 : memref<!tpu.dma_semaphore, #tpu.memory_space<semaphore_mem>>) src(%arg8 : memref<16x2048xf32, #tpu.memory_space<vmem>>) dst(%dma_wait3A_151 : memref<16x2048xf32, #tpu.memory_space<hbm>>)
    }
    %while3A_117 = arith.constant 1 : i32
    scf.for %while3A_146 = %while3A_115 to %while3A_111 step %while3A_117  : i32 {
      %dma_wait3A = arith.constant 0 : i32
      %dma_wait3A_147 = arith.constant 0 : i32
      %dma_wait3A_148 = tpu.memref_slice %arg4[%dma_wait3A, %dma_wait3A_147] : memref<32768x2048xf32, #tpu.memory_space<hbm>> -> memref<16x2048xf32, #tpu.memory_space<hbm>>
      %dma_wait3A_149 = arith.constant 0 : i32
      %dma_wait3A_150 = arith.constant 0 : i32
      %dma_wait3A_151 = tpu.memref_slice %arg4[%dma_wait3A_149, %dma_wait3A_150] : memref<32768x2048xf32, #tpu.memory_space<hbm>> -> memref<16x2048xf32, #tpu.memory_space<hbm>>
      tpu.wait_dma2 semaphore(%arg12 : memref<!tpu.dma_semaphore, #tpu.memory_space<semaphore_mem>>) src(%arg8 : memref<16x2048xf32, #tpu.memory_space<vmem>>) dst(%dma_wait3A_151 : memref<16x2048xf32, #tpu.memory_space<hbm>>)
    }
    %broadcast_in_dim3A_118 = arith.constant 0.000000e+00 : f32
    %broadcast_in_dim3A_119 = vector.broadcast %broadcast_in_dim3A_118 : f32 to vector<16xf32>
    %scan3A_120 = arith.constant 0 : i32
    %scan3A_121 = arith.constant 0 : i32
    %scan3A_122 = arith.constant 16 : i32
    %scan3A_123 = arith.addi %scan3A_121, %scan3A_122 : i32
    %scan3A_124 = arith.constant 1 : i32
    scf.for %scan3A_146 = %scan3A_121 to %scan3A_123 step %scan3A_124  : i32 {
      %scan3A_147 = arith.constant 0 : i32
      %scan3A_148 = arith.constant 128 : i32
      %scan3A_149 = arith.addi %scan3A_147, %scan3A_148 : i32
      %scan3A_150 = arith.constant 1 : i32
      scf.for %scan3A_152 = %scan3A_147 to %scan3A_149 step %scan3A_150  : i32 {
        %mul3A_153 = arith.constant 16 : i32
        %mul3A_154 = arith.muli %scan3A_152, %mul3A_153 : i32
        %swap3A_155 = arith.index_cast %scan3A_146 : i32 to index
        %swap3A_156 = arith.index_cast %mul3A_154 : i32 to index
        %swap3A_157 = tpu.vector_load %arg10[%swap3A_155, %swap3A_156] {strides = array<i32>} : memref<16x2048xf32, #tpu.memory_space<vmem>>, vector<1x16xf32>,
        %swap3A_158 = vector.shape_cast %swap3A_157 : vector<1x16xf32> to vector<16xf32>
        %swap3A_159 = vector.shape_cast %broadcast_in_dim3A_119 : vector<16xf32> to vector<1x16xf32>
        tpu.vector_store %arg10[%swap3A_155, %swap3A_156], %swap3A_159 {strides = array<i32>} : memref<16x2048xf32, #tpu.memory_space<vmem>>, vector<1x16xf32>,
      }
      %scan3A_151 = arith.constant 128 : i32
    }
    %scan3A_125 = arith.constant 16 : i32
    %while3A_126 = arith.constant 0 : i32
    %while3A_127 = arith.constant 0 : i32
    %while3A_128 = arith.subi %select_n3A_84, %while3A_127 : i32
    %while3A_129 = arith.addi %while3A_127, %while3A_128 : i32
    %while3A_130 = arith.constant 1 : i32
    %while3A_131 = arith.divsi %while3A_128, %while3A_130 : i32
    %while3A_132 = arith.muli %while3A_131, %while3A_130 : i32
    %while3A_133 = arith.addi %while3A_127, %while3A_132 : i32
    %while3A_134 = arith.constant 1 : i32
    scf.for %while3A_146 = %while3A_127 to %while3A_133 step %while3A_134  : i32 {
      %mul3A_147 = arith.constant 16 : i32
      %mul3A_148 = arith.muli %while3A_146, %mul3A_147 : i32
      %get3A_149 = arith.index_cast %mul3A_148 : i32 to index
      %get3A_150 = tpu.vector_load %arg7[%get3A_149] {strides = array<i32>} : memref<1040xi32, #tpu.memory_space<vmem>>, vector<16xi32>,
      %get3A_151 = vector.shape_cast %get3A_150 : vector<16xi32> to vector<16xi32>
      %dma_start3A = arith.constant 0 : i32
      %dma_start3A_152 = arith.constant 0 : i32
      %dma_start3A_153 = tpu.memref_slice %arg4[%dma_start3A, %dma_start3A_152] : memref<32768x2048xf32, #tpu.memory_space<hbm>> -> memref<32768x2048xf32, #tpu.memory_space<hbm>>
      tpu.enqueue_indirect_dma source(%arg10 : memref<16x2048xf32, #tpu.memory_space<vmem>>) target(%dma_start3A_153 : memref<32768x2048xf32, #tpu.memory_space<hbm>>) offsets(%get3A_151 : vector<16xi32>) semaphore(%arg13 : memref<!tpu.dma_semaphore, #tpu.memory_space<semaphore_mem>>)
    }
    %while3A_135 = arith.constant 1 : i32
    scf.for %while3A_146 = %while3A_133 to %while3A_129 step %while3A_135  : i32 {
      %mul3A_147 = arith.constant 16 : i32
      %mul3A_148 = arith.muli %while3A_146, %mul3A_147 : i32
      %get3A_149 = arith.index_cast %mul3A_148 : i32 to index
      %get3A_150 = tpu.vector_load %arg7[%get3A_149] {strides = array<i32>} : memref<1040xi32, #tpu.memory_space<vmem>>, vector<16xi32>,
      %get3A_151 = vector.shape_cast %get3A_150 : vector<16xi32> to vector<16xi32>
      %dma_start3A = arith.constant 0 : i32
      %dma_start3A_152 = arith.constant 0 : i32
      %dma_start3A_153 = tpu.memref_slice %arg4[%dma_start3A, %dma_start3A_152] : memref<32768x2048xf32, #tpu.memory_space<hbm>> -> memref<32768x2048xf32, #tpu.memory_space<hbm>>
      tpu.enqueue_indirect_dma source(%arg10 : memref<16x2048xf32, #tpu.memory_space<vmem>>) target(%dma_start3A_153 : memref<32768x2048xf32, #tpu.memory_space<hbm>>) offsets(%get3A_151 : vector<16xi32>) semaphore(%arg13 : memref<!tpu.dma_semaphore, #tpu.memory_space<semaphore_mem>>)
    }
    %while3A_136 = arith.constant 0 : i32
    %while3A_137 = arith.constant 0 : i32
    %while3A_138 = arith.subi %select_n3A_84, %while3A_137 : i32
    %while3A_139 = arith.addi %while3A_137, %while3A_138 : i32
    %while3A_140 = arith.constant 1 : i32
    %while3A_141 = arith.divsi %while3A_138, %while3A_140 : i32
    %while3A_142 = arith.muli %while3A_141, %while3A_140 : i32
    %while3A_143 = arith.addi %while3A_137, %while3A_142 : i32
    %while3A_144 = arith.constant 1 : i32
    scf.for %while3A_146 = %while3A_137 to %while3A_143 step %while3A_144  : i32 {
      %dma_wait3A = arith.constant 0 : i32
      %dma_wait3A_147 = arith.constant 0 : i32
      %dma_wait3A_148 = tpu.memref_slice %arg4[%dma_wait3A, %dma_wait3A_147] : memref<32768x2048xf32, #tpu.memory_space<hbm>> -> memref<16x2048xf32, #tpu.memory_space<hbm>>
      %dma_wait3A_149 = arith.constant 0 : i32
      %dma_wait3A_150 = arith.constant 0 : i32
      %dma_wait3A_151 = tpu.memref_slice %arg4[%dma_wait3A_149, %dma_wait3A_150] : memref<32768x2048xf32, #tpu.memory_space<hbm>> -> memref<16x2048xf32, #tpu.memory_space<hbm>>
      tpu.wait_dma2 semaphore(%arg13 : memref<!tpu.dma_semaphore, #tpu.memory_space<semaphore_mem>>) src(%arg10 : memref<16x2048xf32, #tpu.memory_space<vmem>>) dst(%dma_wait3A_151 : memref<16x2048xf32, #tpu.memory_space<hbm>>)
    }
    %while3A_145 = arith.constant 1 : i32
    scf.for %while3A_146 = %while3A_143 to %while3A_139 step %while3A_145  : i32 {
      %dma_wait3A = arith.constant 0 : i32
      %dma_wait3A_147 = arith.constant 0 : i32
      %dma_wait3A_148 = tpu.memref_slice %arg4[%dma_wait3A, %dma_wait3A_147] : memref<32768x2048xf32, #tpu.memory_space<hbm>> -> memref<16x2048xf32, #tpu.memory_space<hbm>>
      %dma_wait3A_149 = arith.constant 0 : i32
      %dma_wait3A_150 = arith.constant 0 : i32
      %dma_wait3A_151 = tpu.memref_slice %arg4[%dma_wait3A_149, %dma_wait3A_150] : memref<32768x2048xf32, #tpu.memory_space<hbm>> -> memref<16x2048xf32, #tpu.memory_space<hbm>>
      tpu.wait_dma2 semaphore(%arg13 : memref<!tpu.dma_semaphore, #tpu.memory_space<semaphore_mem>>) src(%arg10 : memref<16x2048xf32, #tpu.memory_space<vmem>>) dst(%dma_wait3A_151 : memref<16x2048xf32, #tpu.memory_space<hbm>>)
    }
    return
  }
}

</mosaic_0001>

<sc_bundles>
// kernel: kernel.3.cloned.1.call-start
scs
__scs_entry_jumppad:
0x0: {  	(pc) =	sbr.rel $0x88, $3  }
0x1: {  	(tag) =	ssettag $0x0;
	lr =	simm.s32 $0x1  }
0x2: {  	[smem:$0x3F9F] =	sst lr;
	_ =	strace $0xD0000000  }
0x3: {  	_ = 	snop  }
0x4: {  	_ = 	snop  }
0x5: {  	_ = 	snop  }
0x6: {  	_ = 	snop  }
0x7: {  	_ = 	snop  }
__scs_overlays_trampoline_lowered:
0x8: {  	[smem:$0x3FAE] =	sst s0  }
0x9: {  	[smem:$0x3FAF] =	sst s1  }
0xa: {  	[smem:$0x3FB0] =	sst s2  }
0xb: {  	[smem:$0x3FB1] =	sst s3  }
0xc: {  	[smem:$0x3FB2] =	sst s4  }
0xd: {  	[smem:$0x3FB3] =	sst s5  }
0xe: {  	[smem:$0x3FB4] =	sst s6  }
0xf: {  	[smem:$0x3FB5] =	sst s7  }
0x10: {  	[smem:$0x3FB6] =	sst s8  }
0x11: {  	[smem:$0x3FB7] =	sst s9;
	s0 =	simm.s32 @!p0 $0x0  }
0x12: {  	s1 =	sld [smem:$0x3F9D];
	s0 =	simm.s32 @p0 $0x1  }
0x13: {  	[smem:$0x3FB8] =	sst s0;
	s0 =	simm.s32 @!p1 $0x0  }
0x14: {  	s2 =	sld [smem:$0x3F9C];
	s0 =	simm.s32 @p1 $0x1  }
0x15: {  	[smem:$0x3FB9] =	sst s0;
	s0 =	simm.s32 @!p2 $0x0  }
0x16: {  	s3 =	sld [smem:$0x3FDB];
	s0 =	simm.s32 @p2 $0x1  }
0x17: {  	s4 =	simm.s32 $0x1BF5;
	[smem:$0x3FBB] =	sst s0  }
0x18: {  	s0 =	sld [smem:$0x3F9E];
	_ =	swait.ge [sflag:s4], $0x0  }
0x19: {  	s7 =	sld [smem:$0x3F9F]  }
0x1a: {  	s8 =	sadd.s32 $0xFFFFE003, lr  }
0x1b: {  	s9 =	sadd.s32 $0xFFFFFEF7, lr;
	s5 =	simm.s32 $0xFFFFFFFF;
	p2 =	slt.u32 s8, $0xFFFFF086  }
0x1c: {  	p1 =	slt.u32 s9, $0xF7A;
	s5 =	simm.s32 @!p2 $0x0  }
0x1d: {  	s5 =	simm.s32 @p1 $0x1;
	p0 =	seq.s32 s7, s2  }
0x1e: {  	s7 =	smul.u32 @!p0 $0xF7A, s2;
	p2 =	seq.s32 @!p0 s5, $0x0  }
0x1f: {  	s9 =	smul.u32 $0xF7A, s1;
	s8 =	simm.s32 @!p0 $0x1BF5;
	p2 =	por !p2, p0  }
0x20: {  	[sflag:s8] =	ssyncset.s32 @!p0 $0xFFFFF086;
	s6 =	sadd.s32 @!p0 s3, s7;
	s7 =	simm.s32 @!p0 $0x108  }
0x21: {  	s3 =	sadd.s32 s3, s9;
	s6 =	sadd.s32 @!p0 $0x88, s6;
	s7 =	simm.s32 @p2 $0x1082  }
0x22: {  	[simem:s7], [sflag:s8] =	dma.local @!p0 [hbm:s6], $0xF7A  }
0x23: {  	s9 =	sor.u32 $0xD0000000, s2;
	s6 =	simm.s32 $0x108;
	_ =	swait.ge @!p0 [sflag:s8], $0x0  }
0x24: {  	s3 =	sadd.s32 $0x88, s3;
	s6 =	simm.s32 @!p1 $0x1082;
	[sflag:s4] =	ssyncset.s32 $0xFFFFF086  }
0x25: {  	[simem:s6], [sflag:s4] =	dma.local [hbm:s3], $0xF7A  }
0x26: {  	[smem:$0x3F9F] =	sst s1;
	(tag) =	ssettag s2;
	_ =	strace s9  }
0x27: {  	s1 =	sld [smem:$0x3FAF]  }
0x28: {  	s2 =	sld [smem:$0x3FB0]  }
0x29: {  	s4 =	sld [smem:$0x3FB2]  }
0x2a: {  	p0 =	seq.s32 s5, $0x0;
	s5 =	sld [smem:$0x3FB3]  }
0x2b: {  	s6 =	sld [smem:$0x3FB4]  }
0x2c: {  	s7 =	sld [smem:$0x3FB5]  }
0x2d: {  	s3 =	simm.s32 $0x108;
	s8 =	sld [smem:$0x3FB6]  }
0x2e: {  	s3 =	simm.s32 @!p0 $0x1082;
	s9 =	sld [smem:$0x3FB7]  }
0x2f: {  	lr =	sadd.s32 s0, s3;
	s0 =	sld [smem:$0x3FAE]  }
0x30: {  	s3 =	sld [smem:$0x3FB1]  }
0x31: {  	[smem:$0x3FBA] =	sst s10  }
0x32: {  	s10 =	sld [smem:$0x3FB8];
	_ =	sdelay $0x3  }
0x33: {  	p0 =	seq.s32 s10, $0x1;
	s10 =	sld [smem:$0x3FBA];
	_ =	sdelay $0x3  }
0x34: {  	[smem:$0x3FBA] =	sst s10  }
0x35: {  	s10 =	sld [smem:$0x3FB9];
	_ =	sdelay $0x3  }
0x36: {  	p1 =	seq.s32 s10, $0x1;
	s10 =	sld [smem:$0x3FBA];
	_ =	sdelay $0x3  }
0x37: {  	[smem:$0x3FBA] =	sst s10  }
0x38: {  	s10 =	sld [smem:$0x3FBB]  }
0x39: {  	_ = 	snop;
	(pc) =	sbr.ind lr, $3  }
0x3a: {  	_ = 	snop  }
0x3b: {  	_ = 	snop  }
0x3c: {  	p2 =	seq.s32 s10, $0x1;
	s10 =	sld [smem:$0x3FBA]  }
0x3d: {  	_ =	shalt  }
0x3e: {  	_ =	shalt  }
0x3f: {  	_ =	shalt  }
0x40: {  	_ =	shalt  }
0x41: {  	_ =	shalt  }
0x42: {  	_ =	shalt  }
0x43: {  	_ =	shalt  }
0x44: {  	_ =	shalt  }
0x45: {  	_ =	shalt  }
0x46: {  	_ =	shalt  }
0x47: {  	_ =	shalt  }
0x48: {  	_ =	shalt  }
0x49: {  	_ =	shalt  }
0x4a: {  	_ =	shalt  }
0x4b: {  	_ =	shalt  }
0x4c: {  	_ =	shalt  }
0x4d: {  	_ =	shalt  }
0x4e: {  	_ =	shalt  }
0x4f: {  	_ =	shalt  }
0x50: {  	_ =	shalt  }
0x51: {  	_ =	shalt  }
0x52: {  	_ =	shalt  }
0x53: {  	_ =	shalt  }
0x54: {  	_ =	shalt  }
0x55: {  	_ =	shalt  }
0x56: {  	_ =	shalt  }
0x57: {  	_ =	shalt  }
0x58: {  	_ =	shalt  }
0x59: {  	_ =	shalt  }
0x5a: {  	_ =	shalt  }
0x5b: {  	_ =	shalt  }
0x5c: {  	_ =	shalt  }
0x5d: {  	_ =	shalt  }
0x5e: {  	_ =	shalt  }
0x5f: {  	_ =	shalt  }
0x60: {  	_ =	shalt  }
0x61: {  	_ =	shalt  }
0x62: {  	_ =	shalt  }
0x63: {  	_ =	shalt  }
0x64: {  	_ =	shalt  }
0x65: {  	_ =	shalt  }
0x66: {  	_ =	shalt  }
0x67: {  	_ =	shalt  }
0x68: {  	_ =	shalt  }
0x69: {  	_ =	shalt  }
0x6a: {  	_ =	shalt  }
0x6b: {  	_ =	shalt  }
0x6c: {  	_ =	shalt  }
0x6d: {  	_ =	shalt  }
0x6e: {  	_ =	shalt  }
0x6f: {  	_ =	shalt  }
0x70: {  	_ =	shalt  }
0x71: {  	_ =	shalt  }
0x72: {  	_ =	shalt  }
0x73: {  	_ =	shalt  }
0x74: {  	_ =	shalt  }
0x75: {  	_ =	shalt  }
0x76: {  	_ =	shalt  }
0x77: {  	_ =	shalt  }
0x78: {  	_ =	shalt  }
0x79: {  	_ =	shalt  }
0x7a: {  	_ =	shalt  }
0x7b: {  	_ =	shalt  }
0x7c: {  	_ =	shalt  }
0x7d: {  	_ =	shalt  }
0x7e: {  	_ =	shalt  }
0x7f: {  	_ =	shalt  }
0x80: {  	_ =	shalt  }
0x81: {  	_ =	shalt  }
0x82: {  	_ =	shalt  }
0x83: {  	_ =	shalt  }
0x84: {  	_ =	shalt  }
0x85: {  	_ =	shalt  }
0x86: {  	_ =	shalt  }
0x87: {  	_ =	shalt  }
.Lfunc_end0:
.L_simem_size_0:
called_computation_lowered:
.L_overlay_start_0:
0x88: {  	s2 =	sld [smem:$0x3FD9]  }
0x89: {  	s3 =	sld [smem:$0x3FFE];
	_ =	sdelay $0x1  }
0x8a: {  	s1 =	srdreg.scid  }
0x8b: {  	s0 =	sand.u32 $0x1, s1  }
0x8c: {  	s17 =	sshll.u32 s0, $0xA;
	s2 =	sadd.s32 s3, s2  }
0x8d: {  	s2 =	sadd.s32 s2, s17  }
0x8e: {  	[smem:$0x3FC6] =	sst s2  }
0x8f: {  	_ = 	snop  }
0x90: {  	s2 =	sld [smem:$0x3FC9]  }
0x91: {  	s18 =	sld [smem:$0x3FD0];
	(tm) =	ssettm $0x1  }
0x92: {  	s4 =	sld [smem:$0x3FFB];
	_ =	sdelay $0x3  }
0x93: {  	_ =	strace s4  }
0x94: {  	s4 =	sld [smem:$0x3FFC];
	_ =	sdelay $0x3  }
0x95: {  	_ =	strace s4  }
0x96: {  	s4 =	sld [smem:$0x3FFD];
	_ =	sdelay $0x3  }
0x97: {  	_ =	strace s4  }
0x98: {  	_ =	strace $0x8FFFFFFF  }
0x99: {  	s19 =	sld [smem:$0x3FDB];
	_ =	sdelay $0x1  }
0x9a: {  	s5 =	simm.s32 $_scs_section_size  }
0x9b: {  	s6 =	simm.s32 $_size__tile_overlayer_lowered;
	s7 =	simm.s32 $_tile_overlayer_lowered  }
0x9c: {  	s22 =	simm.s32 $0x1BFF;
	s21 =	sshll.u32 s7, $0x1;
	s4 =	sadd.s32 s5, s19  }
0x9d: {  	s8 =	simm.s32 $0x0;
	s20 =	sshll.u32 s6, $0x1;
	s6 =	sadd.s32 s21, s4  }
0x9e: {  	[timem:s8], [sflag:s22] =	dma.local [hbm:s6], s20  }
0x9f: {  	_ =	swait.ge [sflag:s22], s20  }
0xa0: {  	s5 =	ssub.s32 $0x0, s20;
	[sflag:s22] =	ssyncset.done $0x0  }
0xa1: {  	[sflag:s22] =	ssyncadd.s32 s5;
	_ =	sdelay $0x1  }
0xa2: {  	s23 =	simm.s32 $0x1B8B  }
0xa3: {  	_ =	swait.ge [sflag:s23], $0x1  }
0xa4: {  	[sflag:s23] =	ssyncset.done $0x0  }
0xa5: {  	s25 =	simm.s32 $0x1B8E;
	s24 =	sld [smem:$0x3FFE];
	[sflag:s23] =	ssyncadd.s32 $0xFFFFFFFF  }
0xa6: {  	s26 =	simm.s32 $execute0_lowered;
	[smem:$0x3FD2] =	sst s25  }
0xa7: {  	s6 =	sshll.u32 s26, $0x1;
	_ =	strace $0x80000046;
	[dreg:$0x1] =	wrdreg $0xFFFFFFFF  }
0xa8: {  	s28 =	simm.s32 $_size_execute0_lowered;
	s4 =	sadd.s32 s4, s6;
	[dreg:$0x0] =	wrdreg $0x0  }
0xa9: {  	s6 =	sshll.u32 s28, $0x1;
	[dreg:$0x2] =	wrdreg s4  }
0xaa: {  	[dreg:$0x3] =	wrdreg s6  }
0xab: {  	[dreg:$0x4] =	wrdreg $0xC0  }
0xac: {  	_ =	task [dreg:s8], $0x5FFFF  }
0xad: {  	[dreg:$0x1] =	wrdreg $0xFFFFFFFF  }
0xae: {  	[dreg:$0x0] =	wrdreg $0x60  }
0xaf: {  	[dreg:$0x2] =	wrdreg s24  }
0xb0: {  	[dreg:$0x3] =	wrdreg s2  }
0xb1: {  	[dreg:$0x4] =	wrdreg s18  }
0xb2: {  	[dreg:$0x5] =	wrdreg $0x9  }
0xb3: {  	_ =	task.clear_ibuf [dreg:s8], $0x6FFFF;
	_ =	strace $0x90000046  }
0xb4: {  	s29 =	simm.s32 $0x9;
	_ =	strace $0x80000048  }
0xb5: {  	_ =	swait.ge [sflag:s29], $0x1  }
0xb6: {  	[sflag:s29] =	ssyncadd.s32 $0xFFFFFFFF  }
0xb7: {  	_ =	strace $0x90000048  }
0xb8: {  	_ =	sfence  }
0xb9: {  	s30 =	sld [smem:$0x0];
	_ =	sdelay $0x2  }
0xba: {  	s31 =	sshll.u32 s1, $0xD;
	s1 =	sshrl.u32 s1, $0x2  }
0xbb: {  	s3 =	sand.u32 $0x4000, s31;
	s1 =	sadd.s32 s1, s30  }
0xbc: {  	s0 =	sor.u32 s3, s0;
	s1 =	sshll.u32 s1, $0x11  }
0xbd: {  	s0 =	sor.u32 s1, s0  }
0xbe: {  	s0 =	sadd.s32 $0x8F2B, s0  }
0xbf: {  	[sflag:s0] =	ssyncadd.remote.s32 $0x1  }
0xc0: {  	_ =	sfence.sel $0xFFFF  }
0xc1: {  	[dreg:$0x0] =	wrdreg $0xFFFFFFFF;
	(pc) =	sbr.abs _section_cstart, $3  }
0xc2: {  	[dreg:$0x1] =	wrdreg $0xFFFFFFFF  }
0xc3: {  	_ =	task.clear_ibuf [dreg:s8], $0x2FFFF;
	_ =	strace $0x9FFFFFFF  }
0xc4: {  	(tm) =	ssettm $0x7FFFFFFF  }
0xc5: {  	_ =	shalt  }
tec
execute0_lowered:
.L_overlay_start_1:
0x0: {  	(tag) =	ssettag $0x1  }
0x1: {  	s0 =	rddreg [dreg:$0x0]  }
0x2: {  	s6 =	rddreg [dreg:$0x1];
	s1 =	srdreg.scid  }
0x3: {  	s3 =	rddreg [dreg:$0x2];
	s2 =	stileid.u32;
	s4 =	simm.s32 $0x0  }
0x4: {  	v1 =	vimm.s32 $0xEDCBA987;
	s29 =	simm.s32 $0x2;
	s28 =	simm.s32 $0x15D00;
	s31 =	simm.s32 $0x16500  }
0x5: {  	v0 =	vlaneseq.u32;
	v3 =	vimm.s32 $0xDCBA9876;
	v4 =	vimm.s32 $0x65432100;
	s8 =	simm.s32 $0x18500;
	s9 =	simm.s32 $0x3;
	s1 =	sand.u32 $0x1, s1  }
0x6: {  	v5 =	vimm.s32 $0x54321000;
	v6 =	vimm.s32 $0xE40000;
	v7 =	vimm.s32 $0xBA987654;
	s2 =	sshll.u32 s2, $0xB;
	[smem:$0x7FF] =	sst s4;
	s22 =	sadd.s32 $0x100, s6  }
0x7: {  	v8 =	vimm.s32 $0x32100000;
	vm0 =	vmmov $0x3;
	vm2 =	vcmask $0x3F30;
	s23 =	sadd.s32 $0x200, s6;
	s24 =	sadd.s32 $0x300, s6;
	s25 =	sadd.s32 $0x400, s6  }
0x8: {  	vm1 =	vmmov $0xf;
	vm3 =	vmmov $0xffff;
	v11 =	vimm.f32 $0.0e+00;
	s26 =	sadd.s32 $0x500, s6;
	s13 =	sadd.s32 $0x600, s6;
	s5 =	sshll.u32 s1, $0xA  }
0x9: {  	s12 =	sadd.s32 $0x700, s6;
	s14 =	sadd.s32 $0x100, s3;
	v2 =	vunpack.c.l.s4.s8 v1;
	v1 =	vimm.s32 $0x0;
	v3 =	vunpack.c.l.s4.s8 v3;
	s2 =	sor.u32 s5, s2  }
0xa: {  	s15 =	sadd.s32 $0x200, s3;
	s16 =	sadd.s32 $0x300, s3;
	v4 =	vunpack.c.l.s4.s8 v4;
	v5 =	vunpack.c.l.s4.s8 v5;
	v6 =	vunpack.c.l.s2.s4 v6;
	[dreg:$0x4] =	wrdreg s2  }
0xb: {  	s17 =	sadd.s32 $0x400, s3;
	v7 =	vunpack.c.l.s4.s8 v7;
	v2 =	vunpack.c.0.s8.s32 v2;
	v3 =	vunpack.c.0.s8.s32 v3;
	_ =	strace $0x80000047;
	[dreg:$0x6] =	wrdreg s22  }
0xc: {  	s18 =	sadd.s32 $0x500, s3;
	s19 =	sadd.s32 $0x600, s3;
	v9 =	vshrl.u32 v0, $0x3;
	v4 =	vunpack.c.0.s8.s32 v4;
	v6 =	vunpack.c.l.s4.s8 v6;
	[dreg:$0x7] =	wrdreg s23  }
0xd: {  	s20 =	sadd.s32 $0x700, s3;
	s1 =	ssub.s32 $0x2, s1;
	v5 =	vunpack.c.0.s8.s32 v5;
	[dreg:$0x8] =	wrdreg s24;
	v2 =	vand.u32 $0xF, v2;
	v3 =	vand.u32 $0xF, v3  }
0xe: {  	s21 =	sshrl.u32 s1, $0x1;
	s2 =	sshrl.u32 s2, $0x3;
	[dreg:$0x9] =	wrdreg s25;
	v6 =	vunpack.c.0.s8.s32 v6;
	v2 =	vcombine.low v4, v2;
	v4 =	vunpack.c.l.s4.s8 v8  }
.Ltmp0:
0xf: {  	s1 =	ssub.s32 s1, s21;
	[dreg:$0xa] =	wrdreg s26;
	v3 =	vcombine.low v5, v3;
	v5 =	vunpack.c.0.s8.s32 v7;
	v7 =	vimm.s32 $0x7060504;
	(pc) =	sbr.rel .LBB2_1-.Ltmp0, $4  }
0x10: {  	v10 =	vor.u32 $0x8, v0;
	s0 =	sadd.s32 s2, s0;
	s30 =	smax.u32 s1, $0x1;
	[dreg:$0xb] =	wrdreg s13;
	v7 =	vunpack.c.0.s8.s32 v7;
	v4 =	vunpack.c.0.s8.s32 v4  }
0x11: {  	v9 =	vmul.u32 $0x8, v9;
	s23 =	simm.s32 $0x13D00;
	s24 =	simm.s32 $0x14500;
	[dreg:$0xc] =	wrdreg s12;
	v6 =	vand.u32 $0x3, v6;
	v5 =	vand.u32 $0xF, v5  }
0x12: {  	s25 =	simm.s32 $0x14D00;
	s0 =	sadd.s32 $0x400, s0;
	[dreg:$0xd] =	wrdreg s30;
	v8 =	vand.u32 $0x7, v0;
	v4 =	vcombine.low v4, v5;
	v5 =	vsel vm2, v7, v6  }
0x13: {  	s26 =	simm.s32 $0x15500;
	s1 =	simm.s32 $0x0;
	[dreg:$0x5] =	wrdreg s0;
	vm2 =	vmmov $0xff;
	v6 =	vadd.s32 $0x1, v0;
	v7 =	vimm.s32 $0x7  }
.LBB2_32:
0x14: {  	[sflag:s9] =	ssyncadd.s32 $0xFFFF8000;
	s1 =	rddreg [dreg:$0xe]  }
.LBB2_33:
0x15: {  	s1 =	sadd.s32 $0x1, s1;
	s0 =	rddreg [dreg:$0xd]  }
0x16: {  	p0 =	sne.s32 s1, s0  }
.Ltmp1:
0x17: {  	_ = 	snop;
	(pc) =	sbr.rel @!p0 .LBB2_34-.Ltmp1, $1  }
0x18: {  	_ =	sdelay $0x3  }
.LBB2_1:
0x19: {  	[dreg:$0xe] =	wrdreg s1  }
.Ltmp2:
0x1a: {  	s0 =	rddreg [dreg:$0x5];
	s30 =	simm.s32 $0x4;
	(pc) =	sbr.rel .LBB2_2-.Ltmp2, $4  }
0x1b: {  	[tilespmem:s4], [sflag:$0x4] =	stream.linear.gather [hbm4b:s0+s4], $0x400, $0x38;
	[tilespmem:$0x18D00] =	vst v63  }
0x1c: {  	s12 =	simm.s32 $0x0;
	_ =	swait.ge [sflag:s30], $0x400  }
0x1d: {  	s10 =	simm.s32 $0x0;
	s21 =	simm.s32 $0x0;
	[sflag:s30] =	ssyncset.done $0x0  }
0x1e: {  	s11 =	simm.s32 $0x0;
	s13 =	rddreg [dreg:$0x4];
	[sflag:s30] =	ssyncadd.s32 $0xFFFFFC00  }
.LBB2_4:
0x1f: {  	v12 =	vld [tilespmem:$0x400];
	_ =	sdelay $0x4  }
0x20: {  	v13 =	vshll.u32 v12, $0x4  }
0x21: {  	v12 =	vand.u32 $0x7, v12;
	v13 =	vand.u32 $0xFFFFFF80, v13  }
0x22: {  	v12 =	vor.u32 v12, v13  }
0x23: {  	v13 =	vperm.xlane v12, v8;
	_ =	sdelay $0x1  }
0x24: {  	v13 =	vadd.s32 v9, v13;
	_ =	sdelay $0x3  }
0x25: {  	s0 =	rddreg [dreg:$0x1];
	s1 =	simm.s32 $0xD00  }
0x26: {  	[tilespmem:s1], [sflag:$0x1] =	stream.indirect_vreg.gather [hbm4b:s0+s4], $0x80, v13, vm3, $0xb8;
	[tilespmem:$0x18D00] =	vst v63  }
0x27: {  	s2 =	simm.s32 $0x1500;
	s1 =	rddreg [dreg:$0x6]  }
0x28: {  	[tilespmem:s2], [sflag:$0x1] =	stream.indirect_vreg.gather [hbm4b:s1+s4], $0x80, v13, vm3, $0xb8;
	[tilespmem:$0x18D00] =	vst v63  }
0x29: {  	s5 =	simm.s32 $0x1D00;
	s2 =	rddreg [dreg:$0x7]  }
0x2a: {  	[tilespmem:s5], [sflag:$0x1] =	stream.indirect_vreg.gather [hbm4b:s2+s4], $0x80, v13, vm3, $0xb8;
	[tilespmem:$0x18D00] =	vst v63  }
0x2b: {  	s6 =	simm.s32 $0x2500;
	s5 =	rddreg [dreg:$0x8]  }
0x2c: {  	[tilespmem:s6], [sflag:$0x1] =	stream.indirect_vreg.gather [hbm4b:s5+s4], $0x80, v13, vm3, $0xb8;
	[tilespmem:$0x18D00] =	vst v63  }
0x2d: {  	s7 =	simm.s32 $0x2D00;
	s6 =	rddreg [dreg:$0x9]  }
0x2e: {  	[tilespmem:s7], [sflag:$0x1] =	stream.indirect_vreg.gather [hbm4b:s6+s4], $0x80, v13, vm3, $0xb8;
	[tilespmem:$0x18D00] =	vst v63  }
0x2f: {  	s10 =	simm.s32 $0x3500;
	v12 =	vperm.xlane v12, v10;
	s7 =	rddreg [dreg:$0xa]  }
0x30: {  	[tilespmem:s10], [sflag:$0x1] =	stream.indirect_vreg.gather [hbm4b:s7+s4], $0x80, v13, vm3, $0xb8;
	[tilespmem:$0x18D00] =	vst v63  }
0x31: {  	s22 =	simm.s32 $0x3D00;
	v12 =	vadd.s32 v9, v12;
	s10 =	rddreg [dreg:$0xb]  }
0x32: {  	[tilespmem:s22], [sflag:$0x1] =	stream.indirect_vreg.gather [hbm4b:s10+s4], $0x80, v13, vm3, $0xb8;
	[tilespmem:$0x18D00] =	vst v63  }
0x33: {  	s8 =	smov.u32 s21;
	s21 =	rddreg [dreg:$0xc];
	s22 =	simm.s32 $0x4500  }
0x34: {  	[tilespmem:s22], [sflag:$0x1] =	stream.indirect_vreg.gather [hbm4b:s21+s4], $0x80, v13, vm3, $0xb8;
	[tilespmem:$0x18D00] =	vst v63  }
0x35: {  	s22 =	simm.s32 $0x4D00  }
0x36: {  	[tilespmem:s22], [sflag:$0x1] =	stream.indirect_vreg.gather [hbm4b:s0+s4], $0x80, v12, vm3, $0xb8;
	[tilespmem:$0x18D00] =	vst v63  }
0x37: {  	s22 =	simm.s32 $0x5500  }
0x38: {  	[tilespmem:s22], [sflag:$0x1] =	stream.indirect_vreg.gather [hbm4b:s1+s4], $0x80, v12, vm3, $0xb8;
	[tilespmem:$0x18D00] =	vst v63  }
0x39: {  	s22 =	simm.s32 $0x5D00  }
0x3a: {  	[tilespmem:s22], [sflag:$0x1] =	stream.indirect_vreg.gather [hbm4b:s2+s4], $0x80, v12, vm3, $0xb8;
	[tilespmem:$0x18D00] =	vst v63  }
0x3b: {  	s22 =	simm.s32 $0x6500  }
0x3c: {  	[tilespmem:s22], [sflag:$0x1] =	stream.indirect_vreg.gather [hbm4b:s5+s4], $0x80, v12, vm3, $0xb8;
	[tilespmem:$0x18D00] =	vst v63  }
0x3d: {  	s22 =	simm.s32 $0x6D00  }
0x3e: {  	[tilespmem:s22], [sflag:$0x1] =	stream.indirect_vreg.gather [hbm4b:s6+s4], $0x80, v12, vm3, $0xb8;
	[tilespmem:$0x18D00] =	vst v63  }
0x3f: {  	s22 =	simm.s32 $0x7500  }
0x40: {  	[tilespmem:s22], [sflag:$0x1] =	stream.indirect_vreg.gather [hbm4b:s7+s4], $0x80, v12, vm3, $0xb8;
	[tilespmem:$0x18D00] =	vst v63  }
0x41: {  	s22 =	simm.s32 $0x7D00  }
0x42: {  	[tilespmem:s22], [sflag:$0x1] =	stream.indirect_vreg.gather [hbm4b:s10+s4], $0x80, v12, vm3, $0xb8;
	[tilespmem:$0x18D00] =	vst v63  }
0x43: {  	s22 =	simm.s32 $0x8500  }
0x44: {  	[tilespmem:s22], [sflag:$0x1] =	stream.indirect_vreg.gather [hbm4b:s21+s4], $0x80, v12, vm3, $0xb8;
	[tilespmem:$0x18D00] =	vst v63  }
0x45: {  	v12 =	vld [tilespmem:$0x410];
	_ =	sdelay $0x4  }
0x46: {  	v63 =	vshll.u32 v12, $0x4  }
0x47: {  	v12 =	vand.u32 $0x7, v12;
	v13 =	vand.u32 $0xFFFFFF80, v63  }
0x48: {  	v12 =	vor.u32 v12, v13  }
0x49: {  	v13 =	vperm.xlane v12, v8;
	_ =	sdelay $0x1  }
0x4a: {  	v13 =	vadd.s32 v9, v13;
	_ =	sdelay $0x3  }
0x4b: {  	s22 =	simm.s32 $0x8D00  }
0x4c: {  	[tilespmem:s22], [sflag:$0x1] =	stream.indirect_vreg.gather [hbm4b:s0+s4], $0x80, v13, vm3, $0xb8;
	[tilespmem:$0x18D00] =	vst v63  }
0x4d: {  	s22 =	simm.s32 $0x9500  }
0x4e: {  	[tilespmem:s22], [sflag:$0x1] =	stream.indirect_vreg.gather [hbm4b:s1+s4], $0x80, v13, vm3, $0xb8;
	[tilespmem:$0x18D00] =	vst v63  }
0x4f: {  	s22 =	simm.s32 $0x9D00  }
0x50: {  	[tilespmem:s22], [sflag:$0x1] =	stream.indirect_vreg.gather [hbm4b:s2+s4], $0x80, v13, vm3, $0xb8;
	[tilespmem:$0x18D00] =	vst v63  }
0x51: {  	s22 =	simm.s32 $0xA500  }
0x52: {  	[tilespmem:s22], [sflag:$0x1] =	stream.indirect_vreg.gather [hbm4b:s5+s4], $0x80, v13, vm3, $0xb8;
	[tilespmem:$0x18D00] =	vst v63  }
0x53: {  	s22 =	simm.s32 $0xAD00  }
0x54: {  	[tilespmem:s22], [sflag:$0x1] =	stream.indirect_vreg.gather [hbm4b:s6+s4], $0x80, v13, vm3, $0xb8;
	[tilespmem:$0x18D00] =	vst v63  }
0x55: {  	v12 =	vperm.xlane v12, v10;
	s22 =	simm.s32 $0xB500  }
0x56: {  	[tilespmem:s22], [sflag:$0x1] =	stream.indirect_vreg.gather [hbm4b:s7+s4], $0x80, v13, vm3, $0xb8;
	[tilespmem:$0x18D00] =	vst v63  }
0x57: {  	v12 =	vadd.s32 v9, v12;
	s22 =	simm.s32 $0xBD00  }
0x58: {  	[tilespmem:s22], [sflag:$0x1] =	stream.indirect_vreg.gather [hbm4b:s10+s4], $0x80, v13, vm3, $0xb8;
	[tilespmem:$0x18D00] =	vst v63  }
0x59: {  	s22 =	simm.s32 $0xC500  }
0x5a: {  	[tilespmem:s22], [sflag:$0x1] =	stream.indirect_vreg.gather [hbm4b:s21+s4], $0x80, v13, vm3, $0xb8;
	[tilespmem:$0x18D00] =	vst v63  }
0x5b: {  	s22 =	simm.s32 $0xCD00  }
0x5c: {  	[tilespmem:s22], [sflag:$0x1] =	stream.indirect_vreg.gather [hbm4b:s0+s4], $0x80, v12, vm3, $0xb8;
	[tilespmem:$0x18D00] =	vst v63  }
0x5d: {  	s22 =	simm.s32 $0xD500  }
0x5e: {  	[tilespmem:s22], [sflag:$0x1] =	stream.indirect_vreg.gather [hbm4b:s1+s4], $0x80, v12, vm3, $0xb8;
	[tilespmem:$0x18D00] =	vst v63  }
0x5f: {  	s1 =	simm.s32 $0xDD00  }
0x60: {  	[tilespmem:s1], [sflag:$0x1] =	stream.indirect_vreg.gather [hbm4b:s2+s4], $0x80, v12, vm3, $0xb8;
	[tilespmem:$0x18D00] =	vst v63  }
0x61: {  	s2 =	simm.s32 $0xE500  }
0x62: {  	[tilespmem:s2], [sflag:$0x1] =	stream.indirect_vreg.gather [hbm4b:s5+s4], $0x80, v12, vm3, $0xb8;
	[tilespmem:$0x18D00] =	vst v63  }
0x63: {  	s5 =	simm.s32 $0xED00  }
0x64: {  	[tilespmem:s5], [sflag:$0x1] =	stream.indirect_vreg.gather [hbm4b:s6+s4], $0x80, v12, vm3, $0xb8;
	[tilespmem:$0x18D00] =	vst v63  }
0x65: {  	s6 =	simm.s32 $0xF500  }
0x66: {  	[tilespmem:s6], [sflag:$0x1] =	stream.indirect_vreg.gather [hbm4b:s7+s4], $0x80, v12, vm3, $0xb8;
	[tilespmem:$0x18D00] =	vst v63  }
0x67: {  	s7 =	simm.s32 $0xFD00  }
0x68: {  	[tilespmem:s7], [sflag:$0x1] =	stream.indirect_vreg.gather [hbm4b:s10+s4], $0x80, v12, vm3, $0xb8;
	[tilespmem:$0x18D00] =	vst v63  }
0x69: {  	s22 =	simm.s32 $0x10500  }
0x6a: {  	[tilespmem:s22], [sflag:$0x1] =	stream.indirect_vreg.gather [hbm4b:s21+s4], $0x80, v12, vm3, $0xb8;
	[tilespmem:$0x18D00] =	vst v63  }
0x6b: {  	s10 =	simm.s32 $0x1;
	s21 =	smov.u32 s8;
	s8 =	simm.s32 $0x18500  }
.LBB2_5:
0x6c: {  	s12 =	sadd.s32 $0x40, s12  }
0x6d: {  	p0 =	sne.s32 s12, $0x1000  }
.Ltmp3:
0x6e: {  	_ = 	snop;
	(pc) =	sbr.rel @!p0 .LBB2_6-.Ltmp3, $3  }
0x6f: {  	_ =	sdelay $0x1  }
0x70: {  	s0 =	ssub.s32 s21, s30  }
0x71: {  	s13 =	sadd.s32 $0x10, s13;
	s21 =	sadd.s32 $0x10, s0  }
.LBB2_2:
0x72: {  	s0 =	sshra.s32 s12, $0x2  }
0x73: {  	v12 =	vld [tilespmem:s0+$0x0];
	_ =	sdelay $0x4  }
0x74: {  	vm4 =	vne.s32 v12, $0x0  }
0x75: {  	v12 =	vsel vm4, $0x1, v1  }
0x76: {  	v13 =	vperm.xlane v12, v2  }
0x77: {  	vm4 =	veq.s32 v0, $0x0  }
0x78: {  	v13 =	vsel vm4, $0x0, v13  }
0x79: {  	v12 =	vadd.s32 v12, v13  }
0x7a: {  	v13 =	vperm.xlane v12, v3;
	_ =	sdelay $0x1  }
0x7b: {  	v13 =	vsel vm0, $0x0, v13  }
0x7c: {  	v12 =	vadd.s32 v13, v12  }
0x7d: {  	v13 =	vperm.xlane v12, v4;
	_ =	sdelay $0x1  }
0x7e: {  	v13 =	vsel vm1, $0x0, v13  }
0x7f: {  	v12 =	vadd.s32 v13, v12  }
0x80: {  	v13 =	vperm.xlane v12, v5;
	_ =	sdelay $0x1  }
0x81: {  	v13 =	vsel vm2, $0x0, v13  }
0x82: {  	v12 =	vadd.s32 v13, v12  }
0x83: {  	v13 =	vperm.xlane v12, v7;
	_ =	sdelay $0x1  }
0x84: {  	vm4 =	vlt.s32 v13, v6  }
0x85: {  	v56 =	vsub.s32 v6, v12;
	v14 =	vsel vm4, $0x8, v1  }
0x86: {  	v16 =	vperm.xlane v56, v7;
	v15 =	vor.u32 $0x3, v14  }
0x87: {  	v15 =	vperm.xlane v12, v15  }
0x88: {  	vm4 =	vlt.s32 v16, v6  }
0x89: {  	(v2sf) =	vpush v12, $0xF;
	v16 =	vsel vm4, $0x8, v1;
	vm4 =	vlt.s32 v15, v6  }
0x8a: {  	v17 =	vor.u32 $0x3, v16;
	v15 =	vsel vm4, $0x4, v1  }
0x8b: {  	v57 =	vperm.xlane v56, v17;
	v14 =	vor.u32 v14, v15  }
0x8c: {  	v58 =	vor.u32 $0x1, v14  }
0x8d: {  	vm4 =	vlt.s32 v57, v6;
	v17 =	vperm.xlane v12, v58  }
0x8e: {  	v15 =	vsel vm4, $0x4, v1  }
0x8f: {  	v15 =	vor.u32 v16, v15;
	vm4 =	vlt.s32 v17, v6  }
0x90: {  	v60 =	vor.u32 $0x1, v15;
	v59 =	vsel vm4, $0x2, v1  }
0x91: {  	v61 =	vperm.xlane v56, v60;
	v14 =	vor.u32 v59, v14  }
0x92: {  	v12 =	vperm.xlane v12, v14  }
0x93: {  	vm4 =	vlt.s32 v61, v6  }
0x94: {  	v16 =	vsel vm4, $0x2, v1;
	vm4 =	vlt.s32 v12, v6  }
0x95: {  	v12 =	vsel vm4, $0x1, v1  }
0x96: {  	v62 =	vor.u32 s13, v0;
	v12 =	vor.u32 v12, v14  }
0x97: {  	v12 =	vperm.xlane v62, v12  }
0x98: {  	s30 =	spop (v2sf);
	v15 =	vor.u32 v16, v15  }
0x99: {  	p0 =	sne.s32 s10, $0x0;
	v13 =	vperm.xlane v56, v15;
	[tilespmem:s11+$0x400] =	vst v12;
	s11 =	sadd.s32 s11, s30  }
0x9a: {  	p1 =	slt.s32 @!p0 s11, $0x30  }
0x9b: {  	vm4 =	vlt.s32 v13, v6;
	p1 =	por p0, p1  }
.Ltmp4:
0x9c: {  	v63 =	vsel vm4, $0x1, v1;
	(pc) =	sbr.rel @!p1 .LBB2_4-.Ltmp4, $3  }
0x9d: {  	v12 =	vor.u32 v63, v15  }
0x9e: {  	v12 =	vperm.xlane v62, v12;
	_ =	sdelay $0x1  }
0x9f: {  	[tilespmem:s21+$0x880] =	vst v12  }
.Ltmp5:
0xa0: {  	(pc) =	sbr.rel .LBB2_5-.Ltmp5, $2  }
0xa1: {  	_ =	sdelay $0x2  }
0xa2: {  	s10 =	smov.u32 @p0 s10  }
.LBB2_6:
0xa3: {  	v12 =	vld [tilespmem:$0x400];
	_ =	sdelay $0x2  }
0xa4: {  	v61 =	vld [tilespmem:$0x880];
	_ =	sdelay $0x1  }
0xa5: {  	(v2sf) =	vpush v12, $0x0;
	_ =	sdelay $0x2  }
0xa6: {  	(v2sf) =	vpush v61, $0x0;
	_ =	sdelay $0x8  }
0xa7: {  	s6 =	rddreg [dreg:$0x4]  }
0xa8: {  	p0 =	sgt.s32 s11, $0x0;
	s2 =	sadd.s32 $0xF, s11;
	s1 =	smov.u32 s6  }
0xa9: {  	s22 =	sand.u32 $0xF, s2;
	s5 =	sshra.s32 s2, $0x1F;
	p6 =	slt.s32 s2, $0x1  }
0xaa: {  	p1 =	sne.s32 s22, $0x0;
	s30 =	sshrl.u32 s5, $0x1C;
	s0 =	spop (v2sf)  }
0xab: {  	s1 =	smov.u32 @p0 s0;
	p0 =	por !p6, !p1;
	p1 =	sgt.s32 s21, $0x0  }
0xac: {  	s0 =	sadd.s32 s30, s2;
	s2 =	simm.s32 $0x1;
	p0 =	por !p0, !p0  }
0xad: {  	s5 =	spop (v2sf);
	s0 =	sshra.s32 s0, $0x4;
	s2 =	simm.s32 @!p0 $0x0  }
0xae: {  	s6 =	smov.u32 @p1 s5;
	v62 =	vmov s1;
	p0 =	sne.s32 s10, $0x0;
	s22 =	ssub.s32 s0, s2  }
0xaf: {  	[tilespmem:s11+$0x400] =	vst v62;
	v63 =	vmov s6;
	p1 =	slt.s32 @!p0 s22, $0x1  }
0xb0: {  	[tilespmem:s21+$0x880] =	vst v63;
	p1 =	por p1, p0  }
0xb1: {  	v12 =	vld @!p1 [tilespmem:$0x400];
	_ =	sdelay $0x4  }
0xb2: {  	v13 =	vshll.u32 @!p1 v12, $0x4  }
0xb3: {  	v14 =	vlaneseq.u32 @!p1;
	v12 =	vand.u32 @!p1 $0x7, v12;
	v13 =	vand.u32 @!p1 $0xFFFFFF80, v13  }
0xb4: {  	v15 =	vshrl.u32 @!p1 v14, $0x3;
	v12 =	vor.u32 @!p1 v12, v13;
	v13 =	vand.u32 @!p1 $0x7, v14  }
0xb5: {  	v15 =	vmul.u32 @!p1 $0x8, v15;
	v13 =	vperm.xlane @!p1 v12, v13;
	_ =	sdelay $0x1  }
0xb6: {  	v13 =	vadd.s32 @!p1 v15, v13;
	_ =	sdelay $0x3  }
0xb7: {  	s2 =	rddreg [dreg:$0x1];
	vm4 =	vmmov @!p1 $0xffff;
	s0 =	simm.s32 @!p1 $0x0;
	s1 =	simm.s32 @!p1 $0xD00  }
0xb8: {  	[tilespmem:s1], [sflag:$0x1] =	stream.indirect_vreg.gather @!p1 [hbm4b:s2+s0], $0x80, v13, vm4, $0xb8;
	[tilespmem:$0x18D00] =	vst v63  }
0xb9: {  	s5 =	rddreg [dreg:$0x6];
	s1 =	simm.s32 @!p1 $0x1500  }
0xba: {  	[tilespmem:s1], [sflag:$0x1] =	stream.indirect_vreg.gather @!p1 [hbm4b:s5+s0], $0x80, v13, vm4, $0xb8;
	[tilespmem:$0x18D00] =	vst v63  }
0xbb: {  	s6 =	rddreg [dreg:$0x7];
	s1 =	simm.s32 @!p1 $0x1D00  }
0xbc: {  	[tilespmem:s1], [sflag:$0x1] =	stream.indirect_vreg.gather @!p1 [hbm4b:s6+s0], $0x80, v13, vm4, $0xb8;
	[tilespmem:$0x18D00] =	vst v63  }
0xbd: {  	s7 =	rddreg [dreg:$0x8];
	s1 =	simm.s32 @!p1 $0x2500  }
0xbe: {  	[tilespmem:s1], [sflag:$0x1] =	stream.indirect_vreg.gather @!p1 [hbm4b:s7+s0], $0x80, v13, vm4, $0xb8;
	[tilespmem:$0x18D00] =	vst v63  }
0xbf: {  	s10 =	rddreg [dreg:$0x9];
	s1 =	simm.s32 @!p1 $0x2D00  }
0xc0: {  	v14 =	vor.u32 @!p1 $0x8, v14;
	[tilespmem:s1], [sflag:$0x1] =	stream.indirect_vreg.gather @!p1 [hbm4b:s10+s0], $0x80, v13, vm4, $0xb8;
	[tilespmem:$0x18D00] =	vst v63  }
0xc1: {  	s11 =	rddreg [dreg:$0xa];
	v12 =	vperm.xlane @!p1 v12, v14;
	s1 =	simm.s32 @!p1 $0x3500  }
0xc2: {  	[tilespmem:s1], [sflag:$0x1] =	stream.indirect_vreg.gather @!p1 [hbm4b:s11+s0], $0x80, v13, vm4, $0xb8;
	[tilespmem:$0x18D00] =	vst v63  }
0xc3: {  	s13 =	rddreg [dreg:$0xb];
	v12 =	vadd.s32 @!p1 v15, v12;
	s1 =	simm.s32 @!p1 $0x3D00  }
0xc4: {  	[tilespmem:s1], [sflag:$0x1] =	stream.indirect_vreg.gather @!p1 [hbm4b:s13+s0], $0x80, v13, vm4, $0xb8;
	[tilespmem:$0x18D00] =	vst v63  }
0xc5: {  	s12 =	rddreg [dreg:$0xc];
	s1 =	simm.s32 @!p1 $0x4500  }
0xc6: {  	[tilespmem:s1], [sflag:$0x1] =	stream.indirect_vreg.gather @!p1 [hbm4b:s12+s0], $0x80, v13, vm4, $0xb8;
	[tilespmem:$0x18D00] =	vst v63  }
0xc7: {  	s1 =	simm.s32 @!p1 $0x4D00  }
0xc8: {  	[tilespmem:s1], [sflag:$0x1] =	stream.indirect_vreg.gather @!p1 [hbm4b:s2+s0], $0x80, v12, vm4, $0xb8;
	[tilespmem:$0x18D00] =	vst v63  }
0xc9: {  	s1 =	simm.s32 @!p1 $0x5500  }
0xca: {  	[tilespmem:s1], [sflag:$0x1] =	stream.indirect_vreg.gather @!p1 [hbm4b:s5+s0], $0x80, v12, vm4, $0xb8;
	[tilespmem:$0x18D00] =	vst v63  }
0xcb: {  	s1 =	simm.s32 @!p1 $0x5D00  }
0xcc: {  	[tilespmem:s1], [sflag:$0x1] =	stream.indirect_vreg.gather @!p1 [hbm4b:s6+s0], $0x80, v12, vm4, $0xb8;
	[tilespmem:$0x18D00] =	vst v63  }
0xcd: {  	s1 =	simm.s32 @!p1 $0x6500  }
0xce: {  	[tilespmem:s1], [sflag:$0x1] =	stream.indirect_vreg.gather @!p1 [hbm4b:s7+s0], $0x80, v12, vm4, $0xb8;
	[tilespmem:$0x18D00] =	vst v63  }
0xcf: {  	s1 =	simm.s32 @!p1 $0x6D00  }
0xd0: {  	[tilespmem:s1], [sflag:$0x1] =	stream.indirect_vreg.gather @!p1 [hbm4b:s10+s0], $0x80, v12, vm4, $0xb8;
	[tilespmem:$0x18D00] =	vst v63  }
0xd1: {  	s1 =	simm.s32 @!p1 $0x7500  }
0xd2: {  	[tilespmem:s1], [sflag:$0x1] =	stream.indirect_vreg.gather @!p1 [hbm4b:s11+s0], $0x80, v12, vm4, $0xb8;
	[tilespmem:$0x18D00] =	vst v63  }
0xd3: {  	s1 =	simm.s32 @!p1 $0x7D00  }
0xd4: {  	[tilespmem:s1], [sflag:$0x1] =	stream.indirect_vreg.gather @!p1 [hbm4b:s13+s0], $0x80, v12, vm4, $0xb8;
	[tilespmem:$0x18D00] =	vst v63  }
0xd5: {  	s1 =	simm.s32 @!p1 $0x8500  }
0xd6: {  	[tilespmem:s1], [sflag:$0x1] =	stream.indirect_vreg.gather @!p1 [hbm4b:s12+s0], $0x80, v12, vm4, $0xb8;
	[tilespmem:$0x18D00] =	vst v63  }
0xd7: {  	p1 =	slt.s32 @!p0 s22, $0x2  }
0xd8: {  	p0 =	por p0, p1  }
.Ltmp6:
0xd9: {  	_ = 	snop;
	(pc) =	sbr.rel @p0 .LBB2_8-.Ltmp6, $3  }
0xda: {  	_ =	sdelay $0x1  }
0xdb: {  	[dreg:$0xf] =	wrdreg s21  }
0xdc: {  	[dreg:$0x10] =	wrdreg s22  }
0xdd: {  	v12 =	vld [tilespmem:$0x410];
	_ =	sdelay $0x4  }
0xde: {  	v13 =	vshll.u32 v12, $0x4  }
0xdf: {  	v12 =	vand.u32 $0x7, v12;
	v13 =	vand.u32 $0xFFFFFF80, v13  }
0xe0: {  	v12 =	vor.u32 v12, v13  }
0xe1: {  	v13 =	vperm.xlane v12, v8;
	_ =	sdelay $0x1  }
0xe2: {  	v13 =	vadd.s32 v9, v13;
	_ =	sdelay $0x3  }
0xe3: {  	s0 =	simm.s32 $0x8D00  }
0xe4: {  	[tilespmem:s0], [sflag:$0x1] =	stream.indirect_vreg.gather [hbm4b:s2+s4], $0x80, v13, vm3, $0xb8;
	[tilespmem:$0x18D00] =	vst v63  }
0xe5: {  	s25 =	simm.s32 $0x9500  }
0xe6: {  	[tilespmem:s25], [sflag:$0x1] =	stream.indirect_vreg.gather [hbm4b:s5+s4], $0x80, v13, vm3, $0xb8;
	[tilespmem:$0x18D00] =	vst v63  }
0xe7: {  	s26 =	simm.s32 $0x9D00  }
0xe8: {  	[tilespmem:s26], [sflag:$0x1] =	stream.indirect_vreg.gather [hbm4b:s6+s4], $0x80, v13, vm3, $0xb8;
	[tilespmem:$0x18D00] =	vst v63  }
0xe9: {  	s28 =	simm.s32 $0xA500  }
0xea: {  	[tilespmem:s28], [sflag:$0x1] =	stream.indirect_vreg.gather [hbm4b:s7+s4], $0x80, v13, vm3, $0xb8;
	[tilespmem:$0x18D00] =	vst v63  }
0xeb: {  	s30 =	simm.s32 $0xAD00  }
0xec: {  	[tilespmem:s30], [sflag:$0x1] =	stream.indirect_vreg.gather [hbm4b:s10+s4], $0x80, v13, vm3, $0xb8;
	[tilespmem:$0x18D00] =	vst v63  }
0xed: {  	s31 =	simm.s32 $0xB500;
	v12 =	vperm.xlane v12, v10  }
0xee: {  	[tilespmem:s31], [sflag:$0x1] =	stream.indirect_vreg.gather [hbm4b:s11+s4], $0x80, v13, vm3, $0xb8;
	[tilespmem:$0x18D00] =	vst v63  }
0xef: {  	s1 =	simm.s32 $0xBD00;
	v12 =	vadd.s32 v9, v12  }
0xf0: {  	[tilespmem:s1], [sflag:$0x1] =	stream.indirect_vreg.gather [hbm4b:s13+s4], $0x80, v13, vm3, $0xb8;
	[tilespmem:$0x18D00] =	vst v63  }
0xf1: {  	s21 =	simm.s32 $0xC500  }
0xf2: {  	[tilespmem:s21], [sflag:$0x1] =	stream.indirect_vreg.gather [hbm4b:s12+s4], $0x80, v13, vm3, $0xb8;
	[tilespmem:$0x18D00] =	vst v63  }
0xf3: {  	s22 =	simm.s32 $0xCD00  }
0xf4: {  	[tilespmem:s22], [sflag:$0x1] =	stream.indirect_vreg.gather [hbm4b:s2+s4], $0x80, v12, vm3, $0xb8;
	[tilespmem:$0x18D00] =	vst v63  }
0xf5: {  	s23 =	simm.s32 $0xD500  }
0xf6: {  	[tilespmem:s23], [sflag:$0x1] =	stream.indirect_vreg.gather [hbm4b:s5+s4], $0x80, v12, vm3, $0xb8;
	[tilespmem:$0x18D00] =	vst v63  }
0xf7: {  	s24 =	simm.s32 $0xDD00  }
0xf8: {  	[tilespmem:s24], [sflag:$0x1] =	stream.indirect_vreg.gather [hbm4b:s6+s4], $0x80, v12, vm3, $0xb8;
	[tilespmem:$0x18D00] =	vst v63  }
0xf9: {  	s25 =	simm.s32 $0xE500  }
0xfa: {  	[tilespmem:s25], [sflag:$0x1] =	stream.indirect_vreg.gather [hbm4b:s7+s4], $0x80, v12, vm3, $0xb8;
	[tilespmem:$0x18D00] =	vst v63  }
0xfb: {  	s26 =	simm.s32 $0xED00  }
0xfc: {  	[tilespmem:s26], [sflag:$0x1] =	stream.indirect_vreg.gather [hbm4b:s10+s4], $0x80, v12, vm3, $0xb8;
	[tilespmem:$0x18D00] =	vst v63  }
0xfd: {  	s28 =	simm.s32 $0xF500  }
0xfe: {  	[tilespmem:s28], [sflag:$0x1] =	stream.indirect_vreg.gather [hbm4b:s11+s4], $0x80, v12, vm3, $0xb8;
	[tilespmem:$0x18D00] =	vst v63  }
.Ltmp7:
0xff: {  	_ = 	snop;
	(pc) =	sbr.rel .LBB2_9-.Ltmp7, $4  }
0x100: {  	s30 =	simm.s32 $0xFD00  }
0x101: {  	[tilespmem:s30], [sflag:$0x1] =	stream.indirect_vreg.gather [hbm4b:s13+s4], $0x80, v12, vm3, $0xb8;
	[tilespmem:$0x18D00] =	vst v63  }
0x102: {  	s31 =	simm.s32 $0x10500  }
0x103: {  	[tilespmem:s31], [sflag:$0x1] =	stream.indirect_vreg.gather [hbm4b:s12+s4], $0x80, v12, vm3, $0xb8;
	[tilespmem:$0x18D00] =	vst v63  }
.LBB2_8:
0x104: {  	s0 =	rddreg [dreg:$0x10]  }
0x105: {  	p0 =	slt.s32 s0, $0x1  }
.Ltmp8:
0x106: {  	_ = 	snop;
	(pc) =	sbr.rel @p0 .LBB2_23-.Ltmp8, $2  }
0x107: {  	_ =	sdelay $0x2  }
0x108: {  	s21 =	simm.s32 $0x16D00;
	s22 =	simm.s32 $0x17500;
	s30 =	simm.s32 $0x17D00  }
.LBB2_9:
.Ltmp9:
0x109: {  	(pc) =	sbr.rel .LBB2_10-.Ltmp9, $2  }
0x10a: {  	_ =	sdelay $0x2  }
0x10b: {  	s12 =	simm.s32 $0x0;
	s13 =	simm.s32 $0x420;
	s11 =	simm.s32 $0x2  }
.LBB2_19:
0x10c: {  	s0 =	simm.s32 $0x18500;
	s30 =	simm.s32 $0x17D00  }
0x10d: {  	s31 =	simm.s32 $0x17500;
	s1 =	simm.s32 $0x16500;
	s6 =	simm.s32 $0x15D00  }
0x10e: {  	s21 =	simm.s32 $0x15500;
	s22 =	simm.s32 $0x14D00;
	s5 =	simm.s32 $0x14500  }
0x10f: {  	s23 =	simm.s32 $0x13D00;
	s24 =	simm.s32 $0x13500;
	s25 =	simm.s32 $0x12D00  }
0x110: {  	s26 =	simm.s32 $0x12500;
	s28 =	simm.s32 $0x11D00;
	s2 =	simm.s32 $0x11500  }
0x111: {  	s7 =	simm.s32 $0x10D00;
	[dreg:$0x11] =	wrdreg s0;
	s0 =	simm.s32 $0x16D00  }
.LBB2_20:
0x112: {  	v12 =	vld [tilespmem:s13+$0x0];
	_ =	sdelay $0x4  }
0x113: {  	v13 =	vshll.u32 v12, $0x4  }
0x114: {  	v12 =	vand.u32 $0x7, v12;
	v13 =	vand.u32 $0xFFFFFF80, v13  }
0x115: {  	v12 =	vor.u32 v12, v13  }
0x116: {  	v13 =	vperm.xlane v12, v8;
	_ =	sdelay $0x1  }
0x117: {  	v13 =	vadd.s32 v9, v13;
	_ =	sdelay $0x3  }
0x118: {  	s10 =	rddreg [dreg:$0x1]  }
0x119: {  	[tilespmem:s7], [sflag:$0x1] =	stream.indirect_vreg.gather [hbm4b:s10+s4], $0x80, v13, vm3, $0xb8;
	[tilespmem:$0x18D00] =	vst v63  }
0x11a: {  	s7 =	rddreg [dreg:$0x6]  }
0x11b: {  	[tilespmem:s2], [sflag:$0x1] =	stream.indirect_vreg.gather [hbm4b:s7+s4], $0x80, v13, vm3, $0xb8;
	[tilespmem:$0x18D00] =	vst v63  }
0x11c: {  	s2 =	rddreg [dreg:$0x7]  }
0x11d: {  	[tilespmem:s28], [sflag:$0x1] =	stream.indirect_vreg.gather [hbm4b:s2+s4], $0x80, v13, vm3, $0xb8;
	[tilespmem:$0x18D00] =	vst v63  }
0x11e: {  	s28 =	rddreg [dreg:$0x8]  }
0x11f: {  	[tilespmem:s26], [sflag:$0x1] =	stream.indirect_vreg.gather [hbm4b:s28+s4], $0x80, v13, vm3, $0xb8;
	[tilespmem:$0x18D00] =	vst v63  }
0x120: {  	s26 =	rddreg [dreg:$0x9]  }
0x121: {  	[tilespmem:s25], [sflag:$0x1] =	stream.indirect_vreg.gather [hbm4b:s26+s4], $0x80, v13, vm3, $0xb8;
	[tilespmem:$0x18D00] =	vst v63  }
0x122: {  	v12 =	vperm.xlane v12, v10;
	s25 =	rddreg [dreg:$0xa]  }
0x123: {  	[tilespmem:s24], [sflag:$0x1] =	stream.indirect_vreg.gather [hbm4b:s25+s4], $0x80, v13, vm3, $0xb8;
	[tilespmem:$0x18D00] =	vst v63  }
0x124: {  	v12 =	vadd.s32 v9, v12;
	s24 =	rddreg [dreg:$0xb]  }
0x125: {  	[tilespmem:s23], [sflag:$0x1] =	stream.indirect_vreg.gather [hbm4b:s24+s4], $0x80, v13, vm3, $0xb8;
	[tilespmem:$0x18D00] =	vst v63  }
0x126: {  	s23 =	rddreg [dreg:$0xc]  }
0x127: {  	[tilespmem:s5], [sflag:$0x1] =	stream.indirect_vreg.gather [hbm4b:s23+s4], $0x80, v13, vm3, $0xb8;
	[tilespmem:$0x18D00] =	vst v63  }
0x128: {  	_ = 	snop  }
0x129: {  	[tilespmem:s22], [sflag:$0x1] =	stream.indirect_vreg.gather [hbm4b:s10+s4], $0x80, v12, vm3, $0xb8;
	[tilespmem:$0x18D00] =	vst v63  }
0x12a: {  	_ = 	snop  }
0x12b: {  	[tilespmem:s21], [sflag:$0x1] =	stream.indirect_vreg.gather [hbm4b:s7+s4], $0x80, v12, vm3, $0xb8;
	[tilespmem:$0x18D00] =	vst v63  }
0x12c: {  	_ = 	snop  }
0x12d: {  	[tilespmem:s6], [sflag:$0x1] =	stream.indirect_vreg.gather [hbm4b:s2+s4], $0x80, v12, vm3, $0xb8;
	[tilespmem:$0x18D00] =	vst v63  }
0x12e: {  	_ = 	snop  }
0x12f: {  	[tilespmem:s1], [sflag:$0x1] =	stream.indirect_vreg.gather [hbm4b:s28+s4], $0x80, v12, vm3, $0xb8;
	[tilespmem:$0x18D00] =	vst v63  }
0x130: {  	_ = 	snop  }
0x131: {  	[tilespmem:s0], [sflag:$0x1] =	stream.indirect_vreg.gather [hbm4b:s26+s4], $0x80, v12, vm3, $0xb8;
	[tilespmem:$0x18D00] =	vst v63  }
0x132: {  	_ = 	snop  }
0x133: {  	[tilespmem:s31], [sflag:$0x1] =	stream.indirect_vreg.gather [hbm4b:s25+s4], $0x80, v12, vm3, $0xb8;
	[tilespmem:$0x18D00] =	vst v63  }
0x134: {  	_ = 	snop  }
0x135: {  	[tilespmem:s30], [sflag:$0x1] =	stream.indirect_vreg.gather [hbm4b:s24+s4], $0x80, v12, vm3, $0xb8;
	[tilespmem:$0x18D00] =	vst v63  }
0x136: {  	s31 =	rddreg [dreg:$0x11]  }
0x137: {  	[tilespmem:s31], [sflag:$0x1] =	stream.indirect_vreg.gather [hbm4b:s23+s4], $0x80, v12, vm3, $0xb8;
	[tilespmem:$0x18D00] =	vst v63  }
.LBB2_21:
0x138: {  	s12 =	sadd.s32 $0x1, s12;
	s0 =	rddreg [dreg:$0x10]  }
0x139: {  	p0 =	sne.s32 s0, s12  }
.Ltmp10:
0x13a: {  	_ = 	snop;
	(pc) =	sbr.rel @!p0 .LBB2_22-.Ltmp10, $4  }
0x13b: {  	s13 =	sadd.s32 $0x10, s13;
	s11 =	sadd.s32 $0x1, s11  }
0x13c: {  	s23 =	simm.s32 $0x13D00;
	s24 =	simm.s32 $0x14500;
	s25 =	simm.s32 $0x14D00  }
0x13d: {  	s26 =	simm.s32 $0x15500;
	s28 =	simm.s32 $0x15D00;
	s31 =	simm.s32 $0x16500  }
0x13e: {  	s21 =	simm.s32 $0x16D00;
	s22 =	simm.s32 $0x17500;
	s30 =	simm.s32 $0x17D00  }
.LBB2_10:
0x13f: {  	s0 =	smulhi.u32 $0xAAAAAAAB, s12;
	_ =	sdelay $0x1  }
0x140: {  	s0 =	sshrl.u32 s0, $0x1  }
0x141: {  	s0 =	smul.u32 $0xFFFFFFFD, s0;
	_ =	sdelay $0x1  }
0x142: {  	s0 =	sadd.s32 s0, s12  }
0x143: {  	p0 =	seq.s32 s0, $0x0  }
.Ltmp11:
0x144: {  	s1 =	simm.s32 $0x1;
	(pc) =	sbr.rel @p0 .LBB2_11-.Ltmp11, $4  }
0x145: {  	_ =	swait.ge [sflag:s1], $0x8000  }
0x146: {  	[sflag:s1] =	ssyncset.done $0x0  }
0x147: {  	[sflag:s1] =	ssyncadd.s32 $0xFFFF8000  }
0x148: {  	v12 =	vld [tilespmem:s13+$0xFFFFFFE0]  }
0x149: {  	p0 =	seq.s32 s0, $0x2  }
0x14a: {  	s10 =	simm.s32 @p0 $0x18500;
	s30 =	simm.s32 @p0 $0x17D00;
	s31 =	simm.s32 @p0 $0x17500  }
0x14b: {  	s0 =	simm.s32 @p0 $0x16D00;
	s1 =	simm.s32 @p0 $0x16500;
	s6 =	simm.s32 @p0 $0x15D00  }
0x14c: {  	s21 =	simm.s32 @p0 $0x15500;
	s22 =	simm.s32 @p0 $0x14D00;
	s5 =	simm.s32 @p0 $0x14500  }
0x14d: {  	s23 =	simm.s32 @p0 $0x13D00;
	s24 =	simm.s32 @p0 $0x13500;
	s25 =	simm.s32 @p0 $0x12D00  }
0x14e: {  	s26 =	simm.s32 @p0 $0x12500;
	s28 =	simm.s32 @p0 $0x11D00;
	s2 =	simm.s32 @p0 $0x11500  }
0x14f: {  	s7 =	simm.s32 @p0 $0x10D00;
	s10 =	simm.s32 @!p0 $0x10500;
	s30 =	simm.s32 @!p0 $0xFD00  }
.Ltmp12:
0x150: {  	s31 =	simm.s32 @!p0 $0xF500;
	s0 =	simm.s32 @!p0 $0xED00;
	(pc) =	sbr.rel .LBB2_13-.Ltmp12, $4  }
0x151: {  	s1 =	simm.s32 @!p0 $0xE500;
	s6 =	simm.s32 @!p0 $0xDD00;
	s21 =	simm.s32 @!p0 $0xD500  }
0x152: {  	s22 =	simm.s32 @!p0 $0xCD00;
	s5 =	simm.s32 @!p0 $0xC500;
	s23 =	simm.s32 @!p0 $0xBD00  }
0x153: {  	s24 =	simm.s32 @!p0 $0xB500;
	s25 =	simm.s32 @!p0 $0xAD00;
	s26 =	simm.s32 @!p0 $0xA500  }
0x154: {  	s28 =	simm.s32 @!p0 $0x9D00;
	s2 =	simm.s32 @!p0 $0x9500;
	s7 =	simm.s32 @!p0 $0x8D00  }
.LBB2_11:
0x155: {  	s10 =	simm.s32 $0x8500  }
0x156: {  	s30 =	simm.s32 $0x7D00;
	s31 =	simm.s32 $0x7500;
	s0 =	simm.s32 $0x6D00  }
0x157: {  	s1 =	simm.s32 $0x6500;
	s6 =	simm.s32 $0x5D00;
	s21 =	simm.s32 $0x5500  }
0x158: {  	s22 =	simm.s32 $0x4D00;
	s5 =	simm.s32 $0x4500;
	s23 =	simm.s32 $0x3D00  }
0x159: {  	s24 =	simm.s32 $0x3500;
	s25 =	simm.s32 $0x2D00;
	s26 =	simm.s32 $0x2500  }
0x15a: {  	s28 =	simm.s32 $0x1D00;
	s2 =	simm.s32 $0x1500;
	s7 =	simm.s32 $0xD00  }
.LBB2_13:
0x15b: {  	v13 =	vshll.u32 v12, $0x4  }
0x15c: {  	v63 =	vand.u32 $0x7, v12;
	v13 =	vand.u32 $0xFFFFFF80, v13  }
0x15d: {  	v12 =	vor.u32 v63, v13  }
0x15e: {  	v13 =	vperm.xlane v12, v8;
	_ =	sdelay $0x1  }
0x15f: {  	v13 =	vadd.s32 v9, v13;
	_ =	sdelay $0x4  }
0x160: {  	[hbm4b:s3+s4] =	stream.indirect_vreg.scatter [tilespmem:s7], [sflag:$0x2], $0x80, v13, vm3, $0xb8;
	[tilespmem:$0x18D00] =	vst v63  }
0x161: {  	_ = 	snop  }
0x162: {  	[hbm4b:s14+s4] =	stream.indirect_vreg.scatter [tilespmem:s2], [sflag:$0x2], $0x80, v13, vm3, $0xb8;
	[tilespmem:$0x18D00] =	vst v63  }
0x163: {  	_ = 	snop  }
0x164: {  	[hbm4b:s15+s4] =	stream.indirect_vreg.scatter [tilespmem:s28], [sflag:$0x2], $0x80, v13, vm3, $0xb8;
	[tilespmem:$0x18D00] =	vst v63  }
0x165: {  	_ = 	snop  }
0x166: {  	[hbm4b:s16+s4] =	stream.indirect_vreg.scatter [tilespmem:s26], [sflag:$0x2], $0x80, v13, vm3, $0xb8;
	[tilespmem:$0x18D00] =	vst v63  }
0x167: {  	_ = 	snop  }
0x168: {  	[hbm4b:s17+s4] =	stream.indirect_vreg.scatter [tilespmem:s25], [sflag:$0x2], $0x80, v13, vm3, $0xb8;
	[tilespmem:$0x18D00] =	vst v63  }
0x169: {  	v12 =	vperm.xlane v12, v10  }
0x16a: {  	[hbm4b:s18+s4] =	stream.indirect_vreg.scatter [tilespmem:s24], [sflag:$0x2], $0x80, v13, vm3, $0xb8;
	[tilespmem:$0x18D00] =	vst v63  }
0x16b: {  	v12 =	vadd.s32 v9, v12  }
0x16c: {  	[hbm4b:s19+s4] =	stream.indirect_vreg.scatter [tilespmem:s23], [sflag:$0x2], $0x80, v13, vm3, $0xb8;
	[tilespmem:$0x18D00] =	vst v63  }
0x16d: {  	_ = 	snop  }
0x16e: {  	[hbm4b:s20+s4] =	stream.indirect_vreg.scatter [tilespmem:s5], [sflag:$0x2], $0x80, v13, vm3, $0xb8;
	[tilespmem:$0x18D00] =	vst v63  }
0x16f: {  	_ = 	snop  }
0x170: {  	[hbm4b:s3+s4] =	stream.indirect_vreg.scatter [tilespmem:s22], [sflag:$0x2], $0x80, v12, vm3, $0xb8;
	[tilespmem:$0x18D00] =	vst v63  }
0x171: {  	_ = 	snop  }
0x172: {  	[hbm4b:s14+s4] =	stream.indirect_vreg.scatter [tilespmem:s21], [sflag:$0x2], $0x80, v12, vm3, $0xb8;
	[tilespmem:$0x18D00] =	vst v63  }
0x173: {  	_ = 	snop  }
0x174: {  	[hbm4b:s15+s4] =	stream.indirect_vreg.scatter [tilespmem:s6], [sflag:$0x2], $0x80, v12, vm3, $0xb8;
	[tilespmem:$0x18D00] =	vst v63  }
0x175: {  	_ = 	snop  }
0x176: {  	[hbm4b:s16+s4] =	stream.indirect_vreg.scatter [tilespmem:s1], [sflag:$0x2], $0x80, v12, vm3, $0xb8;
	[tilespmem:$0x18D00] =	vst v63  }
0x177: {  	_ = 	snop  }
0x178: {  	[hbm4b:s17+s4] =	stream.indirect_vreg.scatter [tilespmem:s0], [sflag:$0x2], $0x80, v12, vm3, $0xb8;
	[tilespmem:$0x18D00] =	vst v63  }
0x179: {  	_ = 	snop  }
0x17a: {  	[hbm4b:s18+s4] =	stream.indirect_vreg.scatter [tilespmem:s31], [sflag:$0x2], $0x80, v12, vm3, $0xb8;
	[tilespmem:$0x18D00] =	vst v63  }
0x17b: {  	_ = 	snop  }
0x17c: {  	[hbm4b:s19+s4] =	stream.indirect_vreg.scatter [tilespmem:s30], [sflag:$0x2], $0x80, v12, vm3, $0xb8;
	[tilespmem:$0x18D00] =	vst v63  }
0x17d: {  	s31 =	rddreg [dreg:$0x10];
	s30 =	sadd.s32 $0x2, s12  }
0x17e: {  	p0 =	sge.s32 s30, s31  }
.Ltmp13:
0x17f: {  	_ = 	snop;
	(pc) =	sbr.rel @p0 .LBB2_21-.Ltmp13, $2  }
0x180: {  	_ =	sdelay $0x2  }
0x181: {  	[hbm4b:s20+s4] =	stream.indirect_vreg.scatter [tilespmem:s10], [sflag:$0x2], $0x80, v12, vm3, $0xb8;
	[tilespmem:$0x18D00] =	vst v63  }
0x182: {  	p0 =	seq.s32 s12, $0x0  }
.Ltmp14:
0x183: {  	_ = 	snop;
	(pc) =	sbr.rel @p0 .LBB2_19-.Ltmp14, $1  }
0x184: {  	_ =	sdelay $0x3  }
0x185: {  	s0 =	smulhi.u32 $0xAAAAAAAB, s11;
	_ =	sdelay $0x1  }
0x186: {  	s0 =	sshrl.u32 s0, $0x1  }
0x187: {  	s0 =	smul.u32 $0x3, s0;
	_ =	sdelay $0x1  }
0x188: {  	s0 =	ssub.s32 $0x2, s0  }
0x189: {  	s0 =	sadd.s32 s0, s12  }
0x18a: {  	p0 =	seq.s32 s0, $0x0  }
.Ltmp15:
0x18b: {  	_ = 	snop;
	(pc) =	sbr.rel @p0 .LBB2_16-.Ltmp15, $4  }
0x18c: {  	_ = 	snop  }
0x18d: {  	_ =	swait.ge [sflag:s29], $0x8000  }
0x18e: {  	[sflag:s29] =	ssyncset.done $0x0  }
0x18f: {  	[sflag:s29] =	ssyncadd.s32 $0xFFFF8000  }
0x190: {  	p0 =	seq.s32 s0, $0x2  }
.Ltmp16:
0x191: {  	_ = 	snop;
	(pc) =	sbr.rel @p0 .LBB2_19-.Ltmp16, $1  }
0x192: {  	_ =	sdelay $0x3  }
0x193: {  	s0 =	simm.s32 $0x10500;
	s30 =	simm.s32 $0xFD00;
	s31 =	simm.s32 $0xF500  }
.Ltmp17:
0x194: {  	s1 =	simm.s32 $0xE500;
	s6 =	simm.s32 $0xDD00;
	(pc) =	sbr.rel .LBB2_20-.Ltmp17, $4  }
0x195: {  	s21 =	simm.s32 $0xD500;
	s22 =	simm.s32 $0xCD00;
	s5 =	simm.s32 $0xC500  }
0x196: {  	s23 =	simm.s32 $0xBD00;
	s24 =	simm.s32 $0xB500;
	s25 =	simm.s32 $0xAD00  }
0x197: {  	s26 =	simm.s32 $0xA500;
	s28 =	simm.s32 $0x9D00;
	s2 =	simm.s32 $0x9500  }
0x198: {  	s7 =	simm.s32 $0x8D00;
	[dreg:$0x11] =	wrdreg s0;
	s0 =	simm.s32 $0xED00  }
.LBB2_16:
0x199: {  	s0 =	simm.s32 $0x8500;
	s30 =	simm.s32 $0x7D00;
	s31 =	simm.s32 $0x7500  }
.Ltmp18:
0x19a: {  	s1 =	simm.s32 $0x6500;
	s6 =	simm.s32 $0x5D00;
	(pc) =	sbr.rel .LBB2_20-.Ltmp18, $4  }
0x19b: {  	s21 =	simm.s32 $0x5500;
	s22 =	simm.s32 $0x4D00;
	s5 =	simm.s32 $0x4500  }
0x19c: {  	s23 =	simm.s32 $0x3D00;
	s24 =	simm.s32 $0x3500;
	s25 =	simm.s32 $0x2D00  }
0x19d: {  	s26 =	simm.s32 $0x2500;
	s28 =	simm.s32 $0x1D00;
	s2 =	simm.s32 $0x1500  }
0x19e: {  	s7 =	simm.s32 $0xD00;
	[dreg:$0x11] =	wrdreg s0;
	s0 =	simm.s32 $0x6D00  }
.LBB2_22:
0x19f: {  	s0 =	rddreg [dreg:$0x10]  }
0x1a0: {  	p0 =	sgt.s32 s0, $0x0  }
.Ltmp19:
0x1a1: {  	_ = 	snop;
	(pc) =	sbr.rel @!p0 .LBB2_23-.Ltmp19, $1  }
0x1a2: {  	_ =	sdelay $0x3  }
0x1a3: {  	s0 =	rddreg [dreg:$0x10]  }
0x1a4: {  	s0 =	smin.u32 s0, $0x3  }
0x1a5: {  	p0 =	seq.s32 s0, $0x1  }
.Ltmp20:
0x1a6: {  	_ = 	snop;
	(pc) =	sbr.rel @p0 .LBB2_37-.Ltmp20, $3  }
0x1a7: {  	_ =	sdelay $0x1  }
0x1a8: {  	_ =	swait.ge [sflag:s29], $0x8000  }
0x1a9: {  	[sflag:s29] =	ssyncset.done $0x0;
	s0 =	sadd.s32 $0xFFFFFFFF, s0  }
.LBB2_36:
0x1aa: {  	p0 =	seq.s32 s0, $0x1;
	s0 =	sadd.s32 $0xFFFFFFFF, s0;
	[sflag:s29] =	ssyncadd.s32 $0xFFFF8000  }
.Ltmp21:
0x1ab: {  	(pc) =	sbr.rel @!p0 .LBB2_36-.Ltmp21, $3  }
0x1ac: {  	_ =	sdelay $0x1  }
0x1ad: {  	_ =	swait.ge [sflag:s29], $0x8000  }
0x1ae: {  	[sflag:s29] =	ssyncset.done $0x0  }
.LBB2_37:
0x1af: {  	[sflag:s29] =	ssyncadd.s32 $0xFFFF8000  }
.LBB2_23:
0x1b0: {  	s0 =	rddreg [dreg:$0xf]  }
0x1b1: {  	s0 =	sadd.s32 $0xF, s0  }
0x1b2: {  	s1 =	sand.u32 $0xF, s0  }
0x1b3: {  	s2 =	sshra.s32 s0, $0x1F;
	p0 =	slt.s32 s0, $0x1;
	p1 =	sne.s32 s1, $0x0  }
0x1b4: {  	s13 =	sshrl.u32 s2, $0x1C;
	p0 =	por !p0, !p1  }
0x1b5: {  	s1 =	simm.s32 $0x1;
	s0 =	sadd.s32 s13, s0;
	p0 =	por !p0, !p0  }
0x1b6: {  	s0 =	sshra.s32 s0, $0x4;
	s1 =	simm.s32 @!p0 $0x0  }
0x1b7: {  	s10 =	ssub.s32 s0, s1;
	s0 =	simm.s32 $0x0;
	s1 =	simm.s32 $0x0  }
.LBB2_24:
0x1b8: {  	s2 =	sshll.u32 s1, $0xB;
	s5 =	sshll.u32 s1, $0x7  }
0x1b9: {  	s2 =	sand.u32 $0x4000, s2;
	s5 =	sand.u32 $0x380, s5  }
0x1ba: {  	s2 =	sor.u32 s5, s2  }
0x1bb: {  	s13 =	sand.u32 $0x3C00, s0;
	s5 =	sadd.s32 $0x10D00, s2  }
0x1bc: {  	s7 =	sand.u32 $0x70, s0;
	s2 =	sadd.s32 s13, s5  }
0x1bd: {  	s6 =	simm.s32 $0x10;
	s11 =	simm.s32 $0x0;
	s2 =	sadd.s32 s7, s2  }
.LBB2_25:
0x1be: {  	p0 =	sne.s32 s6, $0x7F0  }
0x1bf: {  	[tilespmem:s2+$0x0] =	vst v11;
	s11 =	sadd.s32 $0x80, s11;
	s2 =	smov.u32 s6;
	s6 =	sadd.s32 $0x10, s6  }
.Ltmp22:
0x1c0: {  	(pc) =	sbr.rel @p0 .LBB2_25-.Ltmp22, $4  }
0x1c1: {  	_ = 	snop  }
0x1c2: {  	s7 =	sand.u32 $0x3C00, s11  }
0x1c3: {  	s2 =	sand.u32 $0x70, s2;
	s7 =	sadd.s32 s7, s5  }
0x1c4: {  	s2 =	sadd.s32 s2, s7  }
0x1c5: {  	s1 =	sadd.s32 $0x1, s1  }
0x1c6: {  	p0 =	seq.s32 s1, $0x10  }
.Ltmp23:
0x1c7: {  	_ = 	snop;
	(pc) =	sbr.rel @!p0 .LBB2_24-.Ltmp23, $2  }
0x1c8: {  	_ =	sdelay $0x2  }
0x1c9: {  	[tilespmem:s2+$0x0] =	vst v11  }
0x1ca: {  	p0 =	sgt.s32 s10, $0x0  }
.Ltmp24:
0x1cb: {  	_ = 	snop;
	(pc) =	sbr.rel @!p0 .LBB2_33-.Ltmp24, $3  }
0x1cc: {  	_ =	sdelay $0x1  }
0x1cd: {  	s0 =	simm.s32 $0x880;
	s2 =	simm.s32 $0x11500;
	s5 =	simm.s32 $0x11D00  }
0x1ce: {  	s6 =	simm.s32 $0x12500;
	s7 =	simm.s32 $0x12D00;
	s1 =	rddreg [dreg:$0xe]  }
0x1cf: {  	v12 =	vld [tilespmem:s0+$0x0];
	_ =	sdelay $0x4  }
0x1d0: {  	v13 =	vshll.u32 v12, $0x4  }
0x1d1: {  	v12 =	vand.u32 $0x7, v12;
	v13 =	vand.u32 $0xFFFFFF80, v13  }
0x1d2: {  	v12 =	vor.u32 v12, v13  }
0x1d3: {  	v13 =	vperm.xlane v12, v8;
	_ =	sdelay $0x1  }
0x1d4: {  	v13 =	vadd.s32 v9, v13;
	_ =	sdelay $0x3  }
0x1d5: {  	s1 =	simm.s32 $0x10D00  }
0x1d6: {  	[hbm4b:s3+s4] =	stream.indirect_vreg.scatter [tilespmem:s1], [sflag:$0x3], $0x80, v13, vm3, $0xb8;
	[tilespmem:$0x18D00] =	vst v63  }
0x1d7: {  	_ = 	snop  }
0x1d8: {  	[hbm4b:s14+s4] =	stream.indirect_vreg.scatter [tilespmem:s2], [sflag:$0x3], $0x80, v13, vm3, $0xb8;
	[tilespmem:$0x18D00] =	vst v63  }
0x1d9: {  	_ = 	snop  }
0x1da: {  	[hbm4b:s15+s4] =	stream.indirect_vreg.scatter [tilespmem:s5], [sflag:$0x3], $0x80, v13, vm3, $0xb8;
	[tilespmem:$0x18D00] =	vst v63  }
0x1db: {  	_ = 	snop  }
0x1dc: {  	[hbm4b:s16+s4] =	stream.indirect_vreg.scatter [tilespmem:s6], [sflag:$0x3], $0x80, v13, vm3, $0xb8;
	[tilespmem:$0x18D00] =	vst v63  }
0x1dd: {  	_ = 	snop  }
0x1de: {  	[hbm4b:s17+s4] =	stream.indirect_vreg.scatter [tilespmem:s7], [sflag:$0x3], $0x80, v13, vm3, $0xb8;
	[tilespmem:$0x18D00] =	vst v63  }
0x1df: {  	v12 =	vperm.xlane v12, v10;
	s1 =	simm.s32 $0x13500  }
0x1e0: {  	[hbm4b:s18+s4] =	stream.indirect_vreg.scatter [tilespmem:s1], [sflag:$0x3], $0x80, v13, vm3, $0xb8;
	[tilespmem:$0x18D00] =	vst v63  }
0x1e1: {  	v12 =	vadd.s32 v9, v12  }
0x1e2: {  	[hbm4b:s19+s4] =	stream.indirect_vreg.scatter [tilespmem:s23], [sflag:$0x3], $0x80, v13, vm3, $0xb8;
	[tilespmem:$0x18D00] =	vst v63  }
0x1e3: {  	_ = 	snop  }
0x1e4: {  	[hbm4b:s20+s4] =	stream.indirect_vreg.scatter [tilespmem:s24], [sflag:$0x3], $0x80, v13, vm3, $0xb8;
	[tilespmem:$0x18D00] =	vst v63  }
0x1e5: {  	_ = 	snop  }
0x1e6: {  	[hbm4b:s3+s4] =	stream.indirect_vreg.scatter [tilespmem:s25], [sflag:$0x3], $0x80, v12, vm3, $0xb8;
	[tilespmem:$0x18D00] =	vst v63  }
0x1e7: {  	_ = 	snop  }
0x1e8: {  	[hbm4b:s14+s4] =	stream.indirect_vreg.scatter [tilespmem:s26], [sflag:$0x3], $0x80, v12, vm3, $0xb8;
	[tilespmem:$0x18D00] =	vst v63  }
0x1e9: {  	_ = 	snop  }
0x1ea: {  	[hbm4b:s15+s4] =	stream.indirect_vreg.scatter [tilespmem:s28], [sflag:$0x3], $0x80, v12, vm3, $0xb8;
	[tilespmem:$0x18D00] =	vst v63  }
0x1eb: {  	_ = 	snop  }
0x1ec: {  	[hbm4b:s16+s4] =	stream.indirect_vreg.scatter [tilespmem:s31], [sflag:$0x3], $0x80, v12, vm3, $0xb8;
	[tilespmem:$0x18D00] =	vst v63  }
0x1ed: {  	p0 =	sne.s32 s10, $0x1  }
0x1ee: {  	[hbm4b:s17+s4] =	stream.indirect_vreg.scatter [tilespmem:s21], [sflag:$0x3], $0x80, v12, vm3, $0xb8;
	[tilespmem:$0x18D00] =	vst v63  }
.Ltmp25:
0x1ef: {  	_ = 	snop;
	(pc) =	sbr.rel @!p0 .LBB2_30-.Ltmp25, $4  }
0x1f0: {  	_ = 	snop  }
0x1f1: {  	[hbm4b:s18+s4] =	stream.indirect_vreg.scatter [tilespmem:s22], [sflag:$0x3], $0x80, v12, vm3, $0xb8;
	[tilespmem:$0x18D00] =	vst v63  }
0x1f2: {  	s11 =	sadd.s32 $0xFFFFFFFF, s10;
	s12 =	sadd.s32 $0x10, s0;
	s0 =	simm.s32 $0x10D00  }
0x1f3: {  	[hbm4b:s19+s4] =	stream.indirect_vreg.scatter [tilespmem:s30], [sflag:$0x3], $0x80, v12, vm3, $0xb8;
	[tilespmem:$0x18D00] =	vst v63  }
.LBB2_29:
0x1f4: {  	[hbm4b:s20+s4] =	stream.indirect_vreg.scatter [tilespmem:s8], [sflag:$0x3], $0x80, v12, vm3, $0xb8;
	[tilespmem:$0x18D00] =	vst v63  }
0x1f5: {  	p0 =	sne.s32 s11, $0x1;
	s11 =	sadd.s32 $0xFFFFFFFF, s11;
	v12 =	vld [tilespmem:s12+$0x0];
	_ =	sdelay $0x4  }
0x1f6: {  	v13 =	vshll.u32 v12, $0x4  }
0x1f7: {  	v12 =	vand.u32 $0x7, v12;
	v13 =	vand.u32 $0xFFFFFF80, v13  }
0x1f8: {  	v12 =	vor.u32 v12, v13  }
0x1f9: {  	v13 =	vperm.xlane v12, v8;
	v12 =	vperm.xlane v12, v10;
	_ =	sdelay $0x1  }
0x1fa: {  	v13 =	vadd.s32 v9, v13;
	_ =	sdelay $0x4  }
0x1fb: {  	[hbm4b:s3+s4] =	stream.indirect_vreg.scatter [tilespmem:s0], [sflag:$0x3], $0x80, v13, vm3, $0xb8;
	[tilespmem:$0x18D00] =	vst v63  }
0x1fc: {  	_ = 	snop  }
0x1fd: {  	[hbm4b:s14+s4] =	stream.indirect_vreg.scatter [tilespmem:s2], [sflag:$0x3], $0x80, v13, vm3, $0xb8;
	[tilespmem:$0x18D00] =	vst v63  }
0x1fe: {  	_ = 	snop  }
0x1ff: {  	[hbm4b:s15+s4] =	stream.indirect_vreg.scatter [tilespmem:s5], [sflag:$0x3], $0x80, v13, vm3, $0xb8;
	[tilespmem:$0x18D00] =	vst v63  }
0x200: {  	_ = 	snop  }
0x201: {  	[hbm4b:s16+s4] =	stream.indirect_vreg.scatter [tilespmem:s6], [sflag:$0x3], $0x80, v13, vm3, $0xb8;
	[tilespmem:$0x18D00] =	vst v63  }
0x202: {  	_ = 	snop  }
0x203: {  	[hbm4b:s17+s4] =	stream.indirect_vreg.scatter [tilespmem:s7], [sflag:$0x3], $0x80, v13, vm3, $0xb8;
	[tilespmem:$0x18D00] =	vst v63  }
0x204: {  	_ = 	snop  }
0x205: {  	[hbm4b:s18+s4] =	stream.indirect_vreg.scatter [tilespmem:s1], [sflag:$0x3], $0x80, v13, vm3, $0xb8;
	[tilespmem:$0x18D00] =	vst v63  }
0x206: {  	v12 =	vadd.s32 v9, v12  }
0x207: {  	[hbm4b:s19+s4] =	stream.indirect_vreg.scatter [tilespmem:s23], [sflag:$0x3], $0x80, v13, vm3, $0xb8;
	[tilespmem:$0x18D00] =	vst v63  }
0x208: {  	_ = 	snop  }
0x209: {  	[hbm4b:s20+s4] =	stream.indirect_vreg.scatter [tilespmem:s24], [sflag:$0x3], $0x80, v13, vm3, $0xb8;
	[tilespmem:$0x18D00] =	vst v63  }
0x20a: {  	_ = 	snop  }
0x20b: {  	[hbm4b:s3+s4] =	stream.indirect_vreg.scatter [tilespmem:s25], [sflag:$0x3], $0x80, v12, vm3, $0xb8;
	[tilespmem:$0x18D00] =	vst v63  }
0x20c: {  	_ = 	snop  }
0x20d: {  	[hbm4b:s14+s4] =	stream.indirect_vreg.scatter [tilespmem:s26], [sflag:$0x3], $0x80, v12, vm3, $0xb8;
	[tilespmem:$0x18D00] =	vst v63  }
0x20e: {  	_ = 	snop  }
0x20f: {  	[hbm4b:s15+s4] =	stream.indirect_vreg.scatter [tilespmem:s28], [sflag:$0x3], $0x80, v12, vm3, $0xb8;
	[tilespmem:$0x18D00] =	vst v63  }
0x210: {  	_ = 	snop  }
0x211: {  	[hbm4b:s16+s4] =	stream.indirect_vreg.scatter [tilespmem:s31], [sflag:$0x3], $0x80, v12, vm3, $0xb8;
	[tilespmem:$0x18D00] =	vst v63  }
0x212: {  	_ = 	snop  }
0x213: {  	[hbm4b:s17+s4] =	stream.indirect_vreg.scatter [tilespmem:s21], [sflag:$0x3], $0x80, v12, vm3, $0xb8;
	[tilespmem:$0x18D00] =	vst v63  }
.Ltmp26:
0x214: {  	(pc) =	sbr.rel @p0 .LBB2_29-.Ltmp26, $4  }
0x215: {  	[hbm4b:s18+s4] =	stream.indirect_vreg.scatter [tilespmem:s22], [sflag:$0x3], $0x80, v12, vm3, $0xb8;
	[tilespmem:$0x18D00] =	vst v63  }
0x216: {  	_ = 	snop  }
0x217: {  	[hbm4b:s19+s4] =	stream.indirect_vreg.scatter [tilespmem:s30], [sflag:$0x3], $0x80, v12, vm3, $0xb8;
	[tilespmem:$0x18D00] =	vst v63  }
0x218: {  	s12 =	sadd.s32 $0x10, s12  }
.LBB2_30:
0x219: {  	_ = 	snop  }
0x21a: {  	p0 =	sne.s32 s10, $0x1  }
.Ltmp27:
0x21b: {  	_ = 	snop;
	(pc) =	sbr.rel @!p0 .LBB2_32-.Ltmp27, $4  }
0x21c: {  	_ = 	snop  }
0x21d: {  	[hbm4b:s20+s4] =	stream.indirect_vreg.scatter [tilespmem:s8], [sflag:$0x3], $0x80, v12, vm3, $0xb8;
	[tilespmem:$0x18D00] =	vst v63  }
0x21e: {  	_ =	swait.ge [sflag:s9], $0x8000  }
0x21f: {  	s0 =	sadd.s32 $0xFFFFFFFF, s10;
	[sflag:s9] =	ssyncset.done $0x0  }
.LBB2_31:
0x220: {  	p0 =	sne.s32 s0, $0x1;
	s0 =	sadd.s32 $0xFFFFFFFF, s0;
	[sflag:s9] =	ssyncadd.s32 $0xFFFF8000  }
.Ltmp28:
0x221: {  	(pc) =	sbr.rel @p0 .LBB2_31-.Ltmp28, $3  }
0x222: {  	_ =	sdelay $0x1  }
0x223: {  	_ =	swait.ge [sflag:s9], $0x8000  }
0x224: {  	[sflag:s9] =	ssyncset.done $0x0  }
.Ltmp29:
0x225: {  	_ = 	snop;
	(pc) =	sbr.rel .LBB2_32-.Ltmp29, $1  }
0x226: {  	_ =	sdelay $0x3  }
.LBB2_34:
0x227: {  	_ =	sfence.sel $0x180000  }
0x228: {  	[bflag:$0x0] =	sbarrier.arrive $0xFFFF  }
0x229: {  	_ =	strace $0x90000047  }
0x22a: {  	s0 =	stileid.u32;
	[bflag:$0x2] =	sbarrier.arrive $0xFFFF  }
0x22b: {  	p0 =	sne.s32 s0, $0x0;
	s0 =	rddreg [dreg:$0x3]  }
0x22c: {  	s0 =	sadd.s32 @!p0 $0x100000, s0  }
0x22d: {  	[sflag:s0] =	ssyncadd.tile.s32 @!p0 $0x1;
	_ =	shalt  }
.Lfunc_end2:
_tile_overlayer_lowered:
.L_overlay_start_2:
0x22e: {  	(tag) =	ssettag $0x2  }
0x22f: {  	s0 =	rddreg [dreg:$0x0];
	s2 =	stileid.u32  }
0x230: {  	s1 =	rddreg [dreg:$0x1];
	p0 =	sne.s32 s2, $0x0  }
0x231: {  	s3 =	rddreg [dreg:$0x2];
	[bflag:$0x3] =	sbarrier.arrive $0xFFFF;
	s2 =	simm.s32 @!p0 $0x1C04  }
0x232: {  	[timem:s3], [sflag:s2] =	dma.local @!p0 [hbm:s0], s1  }
0x233: {  	s0 =	simm.s32 @!p0 $0x4  }
0x234: {  	_ =	swait.ge @!p0 [sflag:s0], s1  }
0x235: {  	s1 =	ssub.s32 @!p0 $0x0, s1;
	[sflag:s0] =	ssyncset.done @!p0 $0x0  }
0x236: {  	[sflag:s0] =	ssyncadd.s32 @!p0 s1  }
0x237: {  	[bflag:$0x3] =	sbarrier.arrive $0xFFFF  }
0x238: {  	_ =	shalt  }

</sc_bundles>
